<compile_context>
chip_gen: v7x
topology: tpu7x:2x2x1
jax: 0.10.2.dev20260603
libtpu: 0.0.44.dev20260713+nightly
codegen_flags: <defaults>
</compile_context>

<pallas_src>
import functools
import math

import jax
import jax.numpy as jnp
from jax import lax
from jax.experimental import pallas as pl
from jax.experimental.pallas import tpu as pltpu
from jax.experimental.pallas import tpu_sc as plsc

D_MODEL = 128
LANES = 16
NUM_WORKERS = 32
CHUNK = 128
NBUF = 2


@functools.partial(jax.jit, static_argnums=(2,))
def _emb_lookup(idx2d, table, n_total):
    n_per_w = n_total // NUM_WORKERS
    n_chunks = n_per_w // CHUNK
    n_outer = n_chunks // NBUF
    scale = jnp.float32(math.sqrt(D_MODEL))
    mesh = plsc.VectorSubcoreMesh(core_axis_name="c", subcore_axis_name="s")

    @functools.partial(
        pl.kernel,
        mesh=mesh,
        out_type=jax.ShapeDtypeStruct((n_total, D_MODEL), jnp.float32),
        scratch_types=[
            pltpu.VMEM((n_chunks, CHUNK), jnp.int32),
            pltpu.VMEM((NBUF, CHUNK, D_MODEL), jnp.float32),
            pltpu.VMEM((NBUF, CHUNK, D_MODEL), jnp.float32),
        ]
        + [pltpu.SemaphoreType.DMA] * (2 * NBUF),
    )
    def k(idx_hbm, table_hbm, out_hbm, idx_v, rows_g, rows_s, *sems):
        sem_g = sems[:NBUF]
        sem_s = sems[NBUF:]
        wid = lax.axis_index("s") * 2 + lax.axis_index("c")
        base = wid * n_per_w

        pltpu.sync_copy(idx_hbm.at[wid], idx_v)

        def gather_start(c, b):
            pltpu.async_copy(table_hbm.at[idx_v.at[c]], rows_g.at[b], sem_g[b])

        def gather_wait(c, b):
            pltpu.make_async_copy(
                table_hbm.at[idx_v.at[c]], rows_g.at[b], sem_g[b]
            ).wait()

        def store_start(c, b):
            pltpu.async_copy(
                rows_s.at[b], out_hbm.at[pl.ds(base + c * CHUNK, CHUNK)], sem_s[b]
            )

        def store_wait(c, b):
            pltpu.make_async_copy(
                rows_s.at[b], out_hbm.at[pl.ds(base + c * CHUNK, CHUNK)], sem_s[b]
            ).wait()

        for b in range(NBUF):
            gather_start(b, b)

        def outer_body(o, carry):
            for b in range(NBUF):
                c = o * NBUF + b
                gather_wait(c, b)

                @pl.when(o > 0)
                def _():
                    store_wait(c - NBUF, b)

                g_b = rows_g.at[b]
                s_b = rows_s.at[b]

                @plsc.parallel_loop(0, CHUNK, unroll=2)
                def _(r):
                    for j in range(D_MODEL // LANES):
                        sl = pl.ds(j * LANES, LANES)
                        s_b[r, sl] = g_b[r, sl] * scale

                store_start(c, b)

                @pl.when(o < n_outer - 1)
                def _():
                    gather_start(c + NBUF, b)
            return carry

        lax.fori_loop(0, n_outer, outer_body, 0)

        for b in range(NBUF):
            store_wait((n_outer - 1) * NBUF + b, b)

    return k(idx2d, table)


def kernel(x, table):
    n_total = x.shape[0] * x.shape[1]
    idx2d = x.reshape(NUM_WORKERS, n_total // (NUM_WORKERS * CHUNK), CHUNK)
    out = _emb_lookup(idx2d, table, n_total)
    return out.reshape(x.shape[0], x.shape[1], table.shape[1])

# --- scband reference (transcript-rebuilt; emitter-appended) ---
"""Pipeline reference for scband-embeddings-83889301225681 (READ-ONLY COPY).

The authoritative reference and input builder live on the scoring server;
editing this copy changes nothing except your own understanding.
"""

import math
import jax, jax.numpy as jnp
import numpy as np

D_MODEL = 128
VOCAB = 1000000
PAD = 0
SCALE = True


def setup_inputs(seed: int = 0) -> dict:
    key = jax.random.key(seed)
    k1, k2 = jax.random.split(key)
    x = jax.random.randint(k1, (1024, 200), 0, VOCAB, dtype=jnp.int32)
    table = jax.random.normal(k2, (VOCAB, D_MODEL), dtype=jnp.float32) * (D_MODEL ** -0.5)
    # nn.Embedding zeroes the padding_idx row implicitly in grads; its init row is random
    # but we zero it here to match the conventional padding semantics.
    table = table.at[PAD].set(0.0)
    return {"x": x, "table": table}


def reference(x, table):
    out = jnp.take(table, x, axis=0)
    if SCALE:
        out = out * math.sqrt(D_MODEL)
    return out

if __name__ == "__main__":
    import jax
    _d = setup_inputs()
    print(jax.jit(kernel)(*tuple(_d.values())))

</pallas_src>

<mosaic_0001>
#map = affine_map<(d0, d1) -> (0, 0, 0)>
#map1 = affine_map<(d0, d1) -> (0, 0)>
#map2 = affine_map<(d0, d1) -> (0)>
module attributes {stable_mosaic.version = 14 : i64} {
  func.func @_rewritten_body(%arg0: i32, %arg1: i32, %arg2: memref<32x50x128xi32, #tpu.memory_space<hbm>>, %arg3: memref<1000000x128xf32, #tpu.memory_space<hbm>>, %arg4: memref<1xf32, #tpu.memory_space<hbm>>, %arg5: memref<204800x128xf32, #tpu.memory_space<hbm>>, %arg6: memref<50x128xi32, #tpu.memory_space<vmem>>, %arg7: memref<2x128x128xf32, #tpu.memory_space<vmem>>, %arg8: memref<2x128x128xf32, #tpu.memory_space<vmem>>, %arg9: memref<!tpu.dma_semaphore, #tpu.memory_space<semaphore_mem>>, %arg10: memref<!tpu.dma_semaphore, #tpu.memory_space<semaphore_mem>>, %arg11: memref<!tpu.dma_semaphore, #tpu.memory_space<semaphore_mem>>, %arg12: memref<!tpu.dma_semaphore, #tpu.memory_space<semaphore_mem>>) attributes {dimension_semantics = [#tpu.dimension_semantics<core_parallel>, #tpu.dimension_semantics<subcore_parallel>], iteration_bounds = array<i64: 2, 16>, scalar_prefetch = 0 : i64, scratch_operands = 7 : i64, tpu.core_type = #tpu.core_type<sc_vector_subcore>, window_params = [{transform_indices = #map}, {transform_indices = #map1}, {transform_indices = #map2}, {transform_indices = #map1}]} {
    %empty_ref3A = memref.alloca() : memref<16xf32, #tpu.memory_space<vmem>>
    "tpu.region"() ({
      %run_scoped3A = tpu.sem_alloc : memref<!tpu.dma_semaphore, #tpu.memory_space<semaphore_mem>>
      %dma_start3A_62 = arith.constant 0 : i32
      %dma_start3A_63 = tpu.memref_slice %empty_ref3A[%dma_start3A_62] : memref<16xf32, #tpu.memory_space<vmem>> -> memref<1xf32, #tpu.memory_space<vmem>>
      %dma_start3A_64 = arith.constant 0 : i32
      %dma_start3A_65 = tpu.memref_slice %empty_ref3A[%dma_start3A_64] : memref<16xf32, #tpu.memory_space<vmem>> -> memref<1xf32, #tpu.memory_space<vmem>>
      tpu.enqueue_dma source(%arg4 : memref<1xf32, #tpu.memory_space<hbm>>) target(%dma_start3A_65 : memref<1xf32, #tpu.memory_space<vmem>>) target_semaphore(%run_scoped3A : memref<!tpu.dma_semaphore, #tpu.memory_space<semaphore_mem>>)
      %dma_wait3A_66 = arith.constant 0 : i32
      %dma_wait3A_67 = tpu.memref_slice %empty_ref3A[%dma_wait3A_66] : memref<16xf32, #tpu.memory_space<vmem>> -> memref<1xf32, #tpu.memory_space<vmem>>
      %dma_wait3A_68 = arith.constant 0 : i32
      %dma_wait3A_69 = tpu.memref_slice %empty_ref3A[%dma_wait3A_68] : memref<16xf32, #tpu.memory_space<vmem>> -> memref<1xf32, #tpu.memory_space<vmem>>
      tpu.wait_dma2 semaphore(%run_scoped3A : memref<!tpu.dma_semaphore, #tpu.memory_space<semaphore_mem>>) src(%arg4 : memref<1xf32, #tpu.memory_space<hbm>>) dst(%dma_wait3A_69 : memref<1xf32, #tpu.memory_space<vmem>>)
      tpu.yield
    }) : () -> ()
    %get3A = arith.constant 0 : index
    %get3A_0 = tpu.vector_load %empty_ref3A[%get3A] {strides = array<i32>} : memref<16xf32, #tpu.memory_space<vmem>>, vector<16xf32>,
    %get3A_1 = vector.shape_cast %get3A_0 : vector<16xf32> to vector<16xf32>
    %slice3A = vector.extract_strided_slice %get3A_1 {offsets = [0], sizes = [1], strides = [1]} : vector<16xf32> to vector<1xf32>
    %squeeze3A = vector.extract %slice3A[0] : f32 from vector<1xf32>
    %mul3A = arith.constant 2 : i32
    %mul3A_2 = arith.muli %arg1, %mul3A : i32
    %add3A = arith.addi %mul3A_2, %arg0 : i32
    %mul3A_3 = arith.constant 6400 : i32
    %mul3A_4 = arith.muli %add3A, %mul3A_3 : i32
    "tpu.region"() ({
      %run_scoped3A = tpu.sem_alloc : memref<!tpu.dma_semaphore, #tpu.memory_space<semaphore_mem>>
      %dma_start3A_62 = arith.constant 0 : i32
      %dma_start3A_63 = arith.constant 0 : i32
      %dma_start3A_64 = tpu.memref_slice %arg2[%add3A, %dma_start3A_62, %dma_start3A_63] : memref<32x50x128xi32, #tpu.memory_space<hbm>> -> memref<1x50x128xi32, #tpu.memory_space<hbm>>
      %dma_start3A_65 = tpu.memref_squeeze %dma_start3A_64 : memref<1x50x128xi32, #tpu.memory_space<hbm>> -> memref<50x128xi32, #tpu.memory_space<hbm>>
      %dma_start3A_66 = arith.constant 0 : i32
      %dma_start3A_67 = arith.constant 0 : i32
      %dma_start3A_68 = tpu.memref_slice %arg2[%add3A, %dma_start3A_66, %dma_start3A_67] : memref<32x50x128xi32, #tpu.memory_space<hbm>> -> memref<1x50x128xi32, #tpu.memory_space<hbm>>
      %dma_start3A_69 = tpu.memref_squeeze %dma_start3A_68 : memref<1x50x128xi32, #tpu.memory_space<hbm>> -> memref<50x128xi32, #tpu.memory_space<hbm>>
      tpu.enqueue_dma source(%dma_start3A_69 : memref<50x128xi32, #tpu.memory_space<hbm>>) target(%arg6 : memref<50x128xi32, #tpu.memory_space<vmem>>) target_semaphore(%run_scoped3A : memref<!tpu.dma_semaphore, #tpu.memory_space<semaphore_mem>>)
      %dma_wait3A_70 = arith.constant 0 : i32
      %dma_wait3A_71 = arith.constant 0 : i32
      %dma_wait3A_72 = tpu.memref_slice %arg2[%add3A, %dma_wait3A_70, %dma_wait3A_71] : memref<32x50x128xi32, #tpu.memory_space<hbm>> -> memref<1x50x128xi32, #tpu.memory_space<hbm>>
      %dma_wait3A_73 = tpu.memref_squeeze %dma_wait3A_72 : memref<1x50x128xi32, #tpu.memory_space<hbm>> -> memref<50x128xi32, #tpu.memory_space<hbm>>
      %dma_wait3A_74 = arith.constant 0 : i32
      %dma_wait3A_75 = arith.constant 0 : i32
      %dma_wait3A_76 = tpu.memref_slice %arg2[%add3A, %dma_wait3A_74, %dma_wait3A_75] : memref<32x50x128xi32, #tpu.memory_space<hbm>> -> memref<1x50x128xi32, #tpu.memory_space<hbm>>
      %dma_wait3A_77 = tpu.memref_squeeze %dma_wait3A_76 : memref<1x50x128xi32, #tpu.memory_space<hbm>> -> memref<50x128xi32, #tpu.memory_space<hbm>>
      tpu.wait_dma2 semaphore(%run_scoped3A : memref<!tpu.dma_semaphore, #tpu.memory_space<semaphore_mem>>) src(%dma_wait3A_77 : memref<50x128xi32, #tpu.memory_space<hbm>>) dst(%arg6 : memref<50x128xi32, #tpu.memory_space<vmem>>)
      tpu.yield
    }) : () -> ()
    %dma_start3A = arith.constant 0 : i32
    %dma_start3A_5 = arith.constant 0 : i32
    %dma_start3A_6 = arith.constant 0 : i32
    %dma_start3A_7 = arith.constant 0 : i32
    %dma_start3A_8 = tpu.memref_slice %arg7[%dma_start3A_5, %dma_start3A_6, %dma_start3A_7] : memref<2x128x128xf32, #tpu.memory_space<vmem>> -> memref<1x128x128xf32, #tpu.memory_space<vmem>>
    %dma_start3A_9 = tpu.memref_squeeze %dma_start3A_8 : memref<1x128x128xf32, #tpu.memory_space<vmem>> -> memref<128x128xf32, #tpu.memory_space<vmem>>
    %dma_start3A_10 = arith.constant 0 : i32
    %dma_start3A_11 = tpu.memref_slice %arg6[%dma_start3A, %dma_start3A_10] : memref<50x128xi32, #tpu.memory_space<vmem>> -> memref<1x128xi32, #tpu.memory_space<vmem>>
    %dma_start3A_12 = tpu.memref_squeeze %dma_start3A_11 : memref<1x128xi32, #tpu.memory_space<vmem>> -> memref<128xi32, #tpu.memory_space<vmem>>
    %dma_start3A_13 = arith.constant 0 : i32
    %dma_start3A_14 = arith.constant 0 : i32
    %dma_start3A_15 = tpu.memref_slice %arg3[%dma_start3A_13, %dma_start3A_14] : memref<1000000x128xf32, #tpu.memory_space<hbm>> -> memref<1000000x128xf32, #tpu.memory_space<hbm>>
    tpu.enqueue_indirect_dma source(%dma_start3A_15 : memref<1000000x128xf32, #tpu.memory_space<hbm>>) target(%dma_start3A_9 : memref<128x128xf32, #tpu.memory_space<vmem>>) offsets(%dma_start3A_12 : memref<128xi32, #tpu.memory_space<vmem>>) semaphore(%arg9 : memref<!tpu.dma_semaphore, #tpu.memory_space<semaphore_mem>>)
    %dma_start3A_16 = arith.constant 1 : i32
    %dma_start3A_17 = arith.constant 1 : i32
    %dma_start3A_18 = arith.constant 0 : i32
    %dma_start3A_19 = arith.constant 0 : i32
    %dma_start3A_20 = tpu.memref_slice %arg7[%dma_start3A_17, %dma_start3A_18, %dma_start3A_19] : memref<2x128x128xf32, #tpu.memory_space<vmem>> -> memref<1x128x128xf32, #tpu.memory_space<vmem>>
    %dma_start3A_21 = tpu.memref_squeeze %dma_start3A_20 : memref<1x128x128xf32, #tpu.memory_space<vmem>> -> memref<128x128xf32, #tpu.memory_space<vmem>>
    %dma_start3A_22 = arith.constant 0 : i32
    %dma_start3A_23 = tpu.memref_slice %arg6[%dma_start3A_16, %dma_start3A_22] : memref<50x128xi32, #tpu.memory_space<vmem>> -> memref<1x128xi32, #tpu.memory_space<vmem>>
    %dma_start3A_24 = tpu.memref_squeeze %dma_start3A_23 : memref<1x128xi32, #tpu.memory_space<vmem>> -> memref<128xi32, #tpu.memory_space<vmem>>
    %dma_start3A_25 = arith.constant 0 : i32
    %dma_start3A_26 = arith.constant 0 : i32
    %dma_start3A_27 = tpu.memref_slice %arg3[%dma_start3A_25, %dma_start3A_26] : memref<1000000x128xf32, #tpu.memory_space<hbm>> -> memref<1000000x128xf32, #tpu.memory_space<hbm>>
    tpu.enqueue_indirect_dma source(%dma_start3A_27 : memref<1000000x128xf32, #tpu.memory_space<hbm>>) target(%dma_start3A_21 : memref<128x128xf32, #tpu.memory_space<vmem>>) offsets(%dma_start3A_24 : memref<128xi32, #tpu.memory_space<vmem>>) semaphore(%arg10 : memref<!tpu.dma_semaphore, #tpu.memory_space<semaphore_mem>>)
    %scan3A = arith.constant 0 : i32
    %scan3A_28 = arith.constant 0 : i32
    %scan3A_29 = arith.constant 25 : i32
    %scan3A_30 = arith.addi %scan3A_28, %scan3A_29 : i32
    %scan3A_31 = arith.constant 1 : i32
    scf.for %scan3A_62 = %scan3A_28 to %scan3A_30 step %scan3A_31  : i32 {
      %mul3A_63 = arith.constant 2 : i32
      %mul3A_64 = arith.muli %scan3A_62, %mul3A_63 : i32
      %add3A_65 = arith.constant 0 : i32
      %add3A_66 = arith.addi %mul3A_64, %add3A_65 : i32
      %dma_wait3A_67 = arith.constant 0 : i32
      %dma_wait3A_68 = arith.constant 0 : i32
      %dma_wait3A_69 = arith.constant 0 : i32
      %dma_wait3A_70 = tpu.memref_slice %arg7[%dma_wait3A_67, %dma_wait3A_68, %dma_wait3A_69] : memref<2x128x128xf32, #tpu.memory_space<vmem>> -> memref<1x128x128xf32, #tpu.memory_space<vmem>>
      %dma_wait3A_71 = tpu.memref_squeeze %dma_wait3A_70 : memref<1x128x128xf32, #tpu.memory_space<vmem>> -> memref<128x128xf32, #tpu.memory_space<vmem>>
      %dma_wait3A_72 = arith.constant 0 : i32
      %dma_wait3A_73 = tpu.memref_slice %arg6[%add3A_66, %dma_wait3A_72] : memref<50x128xi32, #tpu.memory_space<vmem>> -> memref<1x128xi32, #tpu.memory_space<vmem>>
      %dma_wait3A_74 = tpu.memref_squeeze %dma_wait3A_73 : memref<1x128xi32, #tpu.memory_space<vmem>> -> memref<128xi32, #tpu.memory_space<vmem>>
      %dma_wait3A_75 = arith.constant 0 : i32
      %dma_wait3A_76 = arith.constant 0 : i32
      %dma_wait3A_77 = tpu.memref_slice %arg3[%dma_wait3A_75, %dma_wait3A_76] : memref<1000000x128xf32, #tpu.memory_space<hbm>> -> memref<1000000x128xf32, #tpu.memory_space<hbm>>
      tpu.wait_indirect_dma semaphore(%arg9 : memref<!tpu.dma_semaphore, #tpu.memory_space<semaphore_mem>>) src(%dma_wait3A_77 : memref<1000000x128xf32, #tpu.memory_space<hbm>>) dst(%dma_wait3A_71 : memref<128x128xf32, #tpu.memory_space<vmem>>)
      %gt3A = arith.constant 0 : i32
      %gt3A_78 = arith.cmpi sgt, %scan3A_62, %gt3A : i32
      %convert_element_type3A = arith.extui %gt3A_78 : i1 to i32
      %cond3A = arith.constant 0 : i32
      %cond3A_79 = arith.cmpi ne, %convert_element_type3A, %cond3A : i32
      scf.if %cond3A_79 {
        %sub3A = arith.constant 2 : i32
        %sub3A_150 = arith.subi %add3A_66, %sub3A : i32
        %mul3A_151 = arith.constant 128 : i32
        %mul3A_152 = arith.muli %sub3A_150, %mul3A_151 : i32
        %add3A_153 = arith.addi %mul3A_4, %mul3A_152 : i32
        %dma_wait3A_154 = arith.constant 0 : i32
        %dma_wait3A_155 = arith.constant 0 : i32
        %dma_wait3A_156 = arith.constant 0 : i32
        %dma_wait3A_157 = tpu.memref_slice %arg8[%dma_wait3A_154, %dma_wait3A_155, %dma_wait3A_156] : memref<2x128x128xf32, #tpu.memory_space<vmem>> -> memref<1x128x128xf32, #tpu.memory_space<vmem>>
        %dma_wait3A_158 = tpu.memref_squeeze %dma_wait3A_157 : memref<1x128x128xf32, #tpu.memory_space<vmem>> -> memref<128x128xf32, #tpu.memory_space<vmem>>
        %dma_wait3A_159 = arith.constant 0 : i32
        %dma_wait3A_160 = tpu.memref_slice %arg5[%add3A_153, %dma_wait3A_159] : memref<204800x128xf32, #tpu.memory_space<hbm>> -> memref<128x128xf32, #tpu.memory_space<hbm>>
        %dma_wait3A_161 = arith.constant 0 : i32
        %dma_wait3A_162 = tpu.memref_slice %arg5[%add3A_153, %dma_wait3A_161] : memref<204800x128xf32, #tpu.memory_space<hbm>> -> memref<128x128xf32, #tpu.memory_space<hbm>>
        %dma_wait3A_163 = arith.constant 0 : i32
        %dma_wait3A_164 = arith.constant 0 : i32
        %dma_wait3A_165 = tpu.memref_slice %arg8[%dma_wait3A_154, %dma_wait3A_163, %dma_wait3A_164] : memref<2x128x128xf32, #tpu.memory_space<vmem>> -> memref<1x128x128xf32, #tpu.memory_space<vmem>>
        %dma_wait3A_166 = tpu.memref_squeeze %dma_wait3A_165 : memref<1x128x128xf32, #tpu.memory_space<vmem>> -> memref<128x128xf32, #tpu.memory_space<vmem>>
        tpu.wait_dma2 semaphore(%arg11 : memref<!tpu.dma_semaphore, #tpu.memory_space<semaphore_mem>>) src(%dma_wait3A_166 : memref<128x128xf32, #tpu.memory_space<vmem>>) dst(%dma_wait3A_162 : memref<128x128xf32, #tpu.memory_space<hbm>>)
      } else {
      }
      %parallel_loop3A = arith.constant 0 : i32
      %parallel_loop3A_80 = arith.constant 128 : i32
      %parallel_loop3A_81 = arith.constant 1 : i32
      %parallel_loop3A_82 = arith.constant 0 : i32
      %parallel_loop3A_83 = arith.constant 0 : i32
      scf.for %parallel_loop3A_150 = %parallel_loop3A to %parallel_loop3A_80 step %parallel_loop3A_81  : i32 {
        %parallel_loop3A_151 = arith.constant 0 : i32
        %parallel_loop3A_152 = arith.constant 0 : i32
        %parallel_loop3A_153 = tpu.memref_slice %arg7[%parallel_loop3A_82, %parallel_loop3A_151, %parallel_loop3A_152] : memref<2x128x128xf32, #tpu.memory_space<vmem>> -> memref<1x128x128xf32, #tpu.memory_space<vmem>>
        %parallel_loop3A_154 = tpu.memref_squeeze %parallel_loop3A_153 : memref<1x128x128xf32, #tpu.memory_space<vmem>> -> memref<128x128xf32, #tpu.memory_space<vmem>>
        %parallel_loop3A_155 = arith.index_cast %parallel_loop3A_150 : i32 to index
        %parallel_loop3A_156 = arith.constant 0 : index
        %parallel_loop3A_157 = tpu.vector_load %parallel_loop3A_154[%parallel_loop3A_155, %parallel_loop3A_156] {strides = array<i32>} : memref<128x128xf32, #tpu.memory_space<vmem>>, vector<1x16xf32>,
        %parallel_loop3A_158 = vector.shape_cast %parallel_loop3A_157 : vector<1x16xf32> to vector<16xf32>
        %parallel_loop3A_159 = vector.broadcast %squeeze3A : f32 to vector<16xf32>
        %parallel_loop3A_160 = arith.mulf %parallel_loop3A_158, %parallel_loop3A_159 : vector<16xf32>
        %parallel_loop3A_161 = arith.constant 0 : i32
        %parallel_loop3A_162 = arith.constant 0 : i32
        %parallel_loop3A_163 = tpu.memref_slice %arg8[%parallel_loop3A_83, %parallel_loop3A_161, %parallel_loop3A_162] : memref<2x128x128xf32, #tpu.memory_space<vmem>> -> memref<1x128x128xf32, #tpu.memory_space<vmem>>
        %parallel_loop3A_164 = tpu.memref_squeeze %parallel_loop3A_163 : memref<1x128x128xf32, #tpu.memory_space<vmem>> -> memref<128x128xf32, #tpu.memory_space<vmem>>
        %parallel_loop3A_165 = arith.index_cast %parallel_loop3A_150 : i32 to index
        %parallel_loop3A_166 = arith.constant 0 : index
        %parallel_loop3A_167 = tpu.vector_load %parallel_loop3A_164[%parallel_loop3A_165, %parallel_loop3A_166] {strides = array<i32>} : memref<128x128xf32, #tpu.memory_space<vmem>>, vector<1x16xf32>,
        %parallel_loop3A_168 = vector.shape_cast %parallel_loop3A_167 : vector<1x16xf32> to vector<16xf32>
        %parallel_loop3A_169 = vector.shape_cast %parallel_loop3A_160 : vector<16xf32> to vector<1x16xf32>
        tpu.vector_store %parallel_loop3A_164[%parallel_loop3A_165, %parallel_loop3A_166], %parallel_loop3A_169 {strides = array<i32>} : memref<128x128xf32, #tpu.memory_space<vmem>>, vector<1x16xf32>,
        %parallel_loop3A_170 = arith.constant 0 : i32
        %parallel_loop3A_171 = arith.constant 0 : i32
        %parallel_loop3A_172 = tpu.memref_slice %arg7[%parallel_loop3A_82, %parallel_loop3A_170, %parallel_loop3A_171] : memref<2x128x128xf32, #tpu.memory_space<vmem>> -> memref<1x128x128xf32, #tpu.memory_space<vmem>>
        %parallel_loop3A_173 = tpu.memref_squeeze %parallel_loop3A_172 : memref<1x128x128xf32, #tpu.memory_space<vmem>> -> memref<128x128xf32, #tpu.memory_space<vmem>>
        %parallel_loop3A_174 = arith.index_cast %parallel_loop3A_150 : i32 to index
        %parallel_loop3A_175 = arith.constant 16 : index
        %parallel_loop3A_176 = tpu.vector_load %parallel_loop3A_173[%parallel_loop3A_174, %parallel_loop3A_175] {strides = array<i32>} : memref<128x128xf32, #tpu.memory_space<vmem>>, vector<1x16xf32>,
        %parallel_loop3A_177 = vector.shape_cast %parallel_loop3A_176 : vector<1x16xf32> to vector<16xf32>
        %parallel_loop3A_178 = vector.broadcast %squeeze3A : f32 to vector<16xf32>
        %parallel_loop3A_179 = arith.mulf %parallel_loop3A_177, %parallel_loop3A_178 : vector<16xf32>
        %parallel_loop3A_180 = arith.constant 0 : i32
        %parallel_loop3A_181 = arith.constant 0 : i32
        %parallel_loop3A_182 = tpu.memref_slice %arg8[%parallel_loop3A_83, %parallel_loop3A_180, %parallel_loop3A_181] : memref<2x128x128xf32, #tpu.memory_space<vmem>> -> memref<1x128x128xf32, #tpu.memory_space<vmem>>
        %parallel_loop3A_183 = tpu.memref_squeeze %parallel_loop3A_182 : memref<1x128x128xf32, #tpu.memory_space<vmem>> -> memref<128x128xf32, #tpu.memory_space<vmem>>
        %parallel_loop3A_184 = arith.index_cast %parallel_loop3A_150 : i32 to index
        %parallel_loop3A_185 = arith.constant 16 : index
        %parallel_loop3A_186 = tpu.vector_load %parallel_loop3A_183[%parallel_loop3A_184, %parallel_loop3A_185] {strides = array<i32>} : memref<128x128xf32, #tpu.memory_space<vmem>>, vector<1x16xf32>,
        %parallel_loop3A_187 = vector.shape_cast %parallel_loop3A_186 : vector<1x16xf32> to vector<16xf32>
        %parallel_loop3A_188 = vector.shape_cast %parallel_loop3A_179 : vector<16xf32> to vector<1x16xf32>
        tpu.vector_store %parallel_loop3A_183[%parallel_loop3A_184, %parallel_loop3A_185], %parallel_loop3A_188 {strides = array<i32>} : memref<128x128xf32, #tpu.memory_space<vmem>>, vector<1x16xf32>,
        %parallel_loop3A_189 = arith.constant 0 : i32
        %parallel_loop3A_190 = arith.constant 0 : i32
        %parallel_loop3A_191 = tpu.memref_slice %arg7[%parallel_loop3A_82, %parallel_loop3A_189, %parallel_loop3A_190] : memref<2x128x128xf32, #tpu.memory_space<vmem>> -> memref<1x128x128xf32, #tpu.memory_space<vmem>>
        %parallel_loop3A_192 = tpu.memref_squeeze %parallel_loop3A_191 : memref<1x128x128xf32, #tpu.memory_space<vmem>> -> memref<128x128xf32, #tpu.memory_space<vmem>>
        %parallel_loop3A_193 = arith.index_cast %parallel_loop3A_150 : i32 to index
        %parallel_loop3A_194 = arith.constant 32 : index
        %parallel_loop3A_195 = tpu.vector_load %parallel_loop3A_192[%parallel_loop3A_193, %parallel_loop3A_194] {strides = array<i32>} : memref<128x128xf32, #tpu.memory_space<vmem>>, vector<1x16xf32>,
        %parallel_loop3A_196 = vector.shape_cast %parallel_loop3A_195 : vector<1x16xf32> to vector<16xf32>
        %parallel_loop3A_197 = vector.broadcast %squeeze3A : f32 to vector<16xf32>
        %parallel_loop3A_198 = arith.mulf %parallel_loop3A_196, %parallel_loop3A_197 : vector<16xf32>
        %parallel_loop3A_199 = arith.constant 0 : i32
        %parallel_loop3A_200 = arith.constant 0 : i32
        %parallel_loop3A_201 = tpu.memref_slice %arg8[%parallel_loop3A_83, %parallel_loop3A_199, %parallel_loop3A_200] : memref<2x128x128xf32, #tpu.memory_space<vmem>> -> memref<1x128x128xf32, #tpu.memory_space<vmem>>
        %parallel_loop3A_202 = tpu.memref_squeeze %parallel_loop3A_201 : memref<1x128x128xf32, #tpu.memory_space<vmem>> -> memref<128x128xf32, #tpu.memory_space<vmem>>
        %parallel_loop3A_203 = arith.index_cast %parallel_loop3A_150 : i32 to index
        %parallel_loop3A_204 = arith.constant 32 : index
        %parallel_loop3A_205 = tpu.vector_load %parallel_loop3A_202[%parallel_loop3A_203, %parallel_loop3A_204] {strides = array<i32>} : memref<128x128xf32, #tpu.memory_space<vmem>>, vector<1x16xf32>,
        %parallel_loop3A_206 = vector.shape_cast %parallel_loop3A_205 : vector<1x16xf32> to vector<16xf32>
        %parallel_loop3A_207 = vector.shape_cast %parallel_loop3A_198 : vector<16xf32> to vector<1x16xf32>
        tpu.vector_store %parallel_loop3A_202[%parallel_loop3A_203, %parallel_loop3A_204], %parallel_loop3A_207 {strides = array<i32>} : memref<128x128xf32, #tpu.memory_space<vmem>>, vector<1x16xf32>,
        %parallel_loop3A_208 = arith.constant 0 : i32
        %parallel_loop3A_209 = arith.constant 0 : i32
        %parallel_loop3A_210 = tpu.memref_slice %arg7[%parallel_loop3A_82, %parallel_loop3A_208, %parallel_loop3A_209] : memref<2x128x128xf32, #tpu.memory_space<vmem>> -> memref<1x128x128xf32, #tpu.memory_space<vmem>>
        %parallel_loop3A_211 = tpu.memref_squeeze %parallel_loop3A_210 : memref<1x128x128xf32, #tpu.memory_space<vmem>> -> memref<128x128xf32, #tpu.memory_space<vmem>>
        %parallel_loop3A_212 = arith.index_cast %parallel_loop3A_150 : i32 to index
        %parallel_loop3A_213 = arith.constant 48 : index
        %parallel_loop3A_214 = tpu.vector_load %parallel_loop3A_211[%parallel_loop3A_212, %parallel_loop3A_213] {strides = array<i32>} : memref<128x128xf32, #tpu.memory_space<vmem>>, vector<1x16xf32>,
        %parallel_loop3A_215 = vector.shape_cast %parallel_loop3A_214 : vector<1x16xf32> to vector<16xf32>
        %parallel_loop3A_216 = vector.broadcast %squeeze3A : f32 to vector<16xf32>
        %parallel_loop3A_217 = arith.mulf %parallel_loop3A_215, %parallel_loop3A_216 : vector<16xf32>
        %parallel_loop3A_218 = arith.constant 0 : i32
        %parallel_loop3A_219 = arith.constant 0 : i32
        %parallel_loop3A_220 = tpu.memref_slice %arg8[%parallel_loop3A_83, %parallel_loop3A_218, %parallel_loop3A_219] : memref<2x128x128xf32, #tpu.memory_space<vmem>> -> memref<1x128x128xf32, #tpu.memory_space<vmem>>
        %parallel_loop3A_221 = tpu.memref_squeeze %parallel_loop3A_220 : memref<1x128x128xf32, #tpu.memory_space<vmem>> -> memref<128x128xf32, #tpu.memory_space<vmem>>
        %parallel_loop3A_222 = arith.index_cast %parallel_loop3A_150 : i32 to index
        %parallel_loop3A_223 = arith.constant 48 : index
        %parallel_loop3A_224 = tpu.vector_load %parallel_loop3A_221[%parallel_loop3A_222, %parallel_loop3A_223] {strides = array<i32>} : memref<128x128xf32, #tpu.memory_space<vmem>>, vector<1x16xf32>,
        %parallel_loop3A_225 = vector.shape_cast %parallel_loop3A_224 : vector<1x16xf32> to vector<16xf32>
        %parallel_loop3A_226 = vector.shape_cast %parallel_loop3A_217 : vector<16xf32> to vector<1x16xf32>
        tpu.vector_store %parallel_loop3A_221[%parallel_loop3A_222, %parallel_loop3A_223], %parallel_loop3A_226 {strides = array<i32>} : memref<128x128xf32, #tpu.memory_space<vmem>>, vector<1x16xf32>,
        %parallel_loop3A_227 = arith.constant 0 : i32
        %parallel_loop3A_228 = arith.constant 0 : i32
        %parallel_loop3A_229 = tpu.memref_slice %arg7[%parallel_loop3A_82, %parallel_loop3A_227, %parallel_loop3A_228] : memref<2x128x128xf32, #tpu.memory_space<vmem>> -> memref<1x128x128xf32, #tpu.memory_space<vmem>>
        %parallel_loop3A_230 = tpu.memref_squeeze %parallel_loop3A_229 : memref<1x128x128xf32, #tpu.memory_space<vmem>> -> memref<128x128xf32, #tpu.memory_space<vmem>>
        %parallel_loop3A_231 = arith.index_cast %parallel_loop3A_150 : i32 to index
        %parallel_loop3A_232 = arith.constant 64 : index
        %parallel_loop3A_233 = tpu.vector_load %parallel_loop3A_230[%parallel_loop3A_231, %parallel_loop3A_232] {strides = array<i32>} : memref<128x128xf32, #tpu.memory_space<vmem>>, vector<1x16xf32>,
        %parallel_loop3A_234 = vector.shape_cast %parallel_loop3A_233 : vector<1x16xf32> to vector<16xf32>
        %parallel_loop3A_235 = vector.broadcast %squeeze3A : f32 to vector<16xf32>
        %parallel_loop3A_236 = arith.mulf %parallel_loop3A_234, %parallel_loop3A_235 : vector<16xf32>
        %parallel_loop3A_237 = arith.constant 0 : i32
        %parallel_loop3A_238 = arith.constant 0 : i32
        %parallel_loop3A_239 = tpu.memref_slice %arg8[%parallel_loop3A_83, %parallel_loop3A_237, %parallel_loop3A_238] : memref<2x128x128xf32, #tpu.memory_space<vmem>> -> memref<1x128x128xf32, #tpu.memory_space<vmem>>
        %parallel_loop3A_240 = tpu.memref_squeeze %parallel_loop3A_239 : memref<1x128x128xf32, #tpu.memory_space<vmem>> -> memref<128x128xf32, #tpu.memory_space<vmem>>
        %parallel_loop3A_241 = arith.index_cast %parallel_loop3A_150 : i32 to index
        %parallel_loop3A_242 = arith.constant 64 : index
        %parallel_loop3A_243 = tpu.vector_load %parallel_loop3A_240[%parallel_loop3A_241, %parallel_loop3A_242] {strides = array<i32>} : memref<128x128xf32, #tpu.memory_space<vmem>>, vector<1x16xf32>,
        %parallel_loop3A_244 = vector.shape_cast %parallel_loop3A_243 : vector<1x16xf32> to vector<16xf32>
        %parallel_loop3A_245 = vector.shape_cast %parallel_loop3A_236 : vector<16xf32> to vector<1x16xf32>
        tpu.vector_store %parallel_loop3A_240[%parallel_loop3A_241, %parallel_loop3A_242], %parallel_loop3A_245 {strides = array<i32>} : memref<128x128xf32, #tpu.memory_space<vmem>>, vector<1x16xf32>,
        %parallel_loop3A_246 = arith.constant 0 : i32
        %parallel_loop3A_247 = arith.constant 0 : i32
        %parallel_loop3A_248 = tpu.memref_slice %arg7[%parallel_loop3A_82, %parallel_loop3A_246, %parallel_loop3A_247] : memref<2x128x128xf32, #tpu.memory_space<vmem>> -> memref<1x128x128xf32, #tpu.memory_space<vmem>>
        %parallel_loop3A_249 = tpu.memref_squeeze %parallel_loop3A_248 : memref<1x128x128xf32, #tpu.memory_space<vmem>> -> memref<128x128xf32, #tpu.memory_space<vmem>>
        %parallel_loop3A_250 = arith.index_cast %parallel_loop3A_150 : i32 to index
        %parallel_loop3A_251 = arith.constant 80 : index
        %parallel_loop3A_252 = tpu.vector_load %parallel_loop3A_249[%parallel_loop3A_250, %parallel_loop3A_251] {strides = array<i32>} : memref<128x128xf32, #tpu.memory_space<vmem>>, vector<1x16xf32>,
        %parallel_loop3A_253 = vector.shape_cast %parallel_loop3A_252 : vector<1x16xf32> to vector<16xf32>
        %parallel_loop3A_254 = vector.broadcast %squeeze3A : f32 to vector<16xf32>
        %parallel_loop3A_255 = arith.mulf %parallel_loop3A_253, %parallel_loop3A_254 : vector<16xf32>
        %parallel_loop3A_256 = arith.constant 0 : i32
        %parallel_loop3A_257 = arith.constant 0 : i32
        %parallel_loop3A_258 = tpu.memref_slice %arg8[%parallel_loop3A_83, %parallel_loop3A_256, %parallel_loop3A_257] : memref<2x128x128xf32, #tpu.memory_space<vmem>> -> memref<1x128x128xf32, #tpu.memory_space<vmem>>
        %parallel_loop3A_259 = tpu.memref_squeeze %parallel_loop3A_258 : memref<1x128x128xf32, #tpu.memory_space<vmem>> -> memref<128x128xf32, #tpu.memory_space<vmem>>
        %parallel_loop3A_260 = arith.index_cast %parallel_loop3A_150 : i32 to index
        %parallel_loop3A_261 = arith.constant 80 : index
        %parallel_loop3A_262 = tpu.vector_load %parallel_loop3A_259[%parallel_loop3A_260, %parallel_loop3A_261] {strides = array<i32>} : memref<128x128xf32, #tpu.memory_space<vmem>>, vector<1x16xf32>,
        %parallel_loop3A_263 = vector.shape_cast %parallel_loop3A_262 : vector<1x16xf32> to vector<16xf32>
        %parallel_loop3A_264 = vector.shape_cast %parallel_loop3A_255 : vector<16xf32> to vector<1x16xf32>
        tpu.vector_store %parallel_loop3A_259[%parallel_loop3A_260, %parallel_loop3A_261], %parallel_loop3A_264 {strides = array<i32>} : memref<128x128xf32, #tpu.memory_space<vmem>>, vector<1x16xf32>,
        %parallel_loop3A_265 = arith.constant 0 : i32
        %parallel_loop3A_266 = arith.constant 0 : i32
        %parallel_loop3A_267 = tpu.memref_slice %arg7[%parallel_loop3A_82, %parallel_loop3A_265, %parallel_loop3A_266] : memref<2x128x128xf32, #tpu.memory_space<vmem>> -> memref<1x128x128xf32, #tpu.memory_space<vmem>>
        %parallel_loop3A_268 = tpu.memref_squeeze %parallel_loop3A_267 : memref<1x128x128xf32, #tpu.memory_space<vmem>> -> memref<128x128xf32, #tpu.memory_space<vmem>>
        %parallel_loop3A_269 = arith.index_cast %parallel_loop3A_150 : i32 to index
        %parallel_loop3A_270 = arith.constant 96 : index
        %parallel_loop3A_271 = tpu.vector_load %parallel_loop3A_268[%parallel_loop3A_269, %parallel_loop3A_270] {strides = array<i32>} : memref<128x128xf32, #tpu.memory_space<vmem>>, vector<1x16xf32>,
        %parallel_loop3A_272 = vector.shape_cast %parallel_loop3A_271 : vector<1x16xf32> to vector<16xf32>
        %parallel_loop3A_273 = vector.broadcast %squeeze3A : f32 to vector<16xf32>
        %parallel_loop3A_274 = arith.mulf %parallel_loop3A_272, %parallel_loop3A_273 : vector<16xf32>
        %parallel_loop3A_275 = arith.constant 0 : i32
        %parallel_loop3A_276 = arith.constant 0 : i32
        %parallel_loop3A_277 = tpu.memref_slice %arg8[%parallel_loop3A_83, %parallel_loop3A_275, %parallel_loop3A_276] : memref<2x128x128xf32, #tpu.memory_space<vmem>> -> memref<1x128x128xf32, #tpu.memory_space<vmem>>
        %parallel_loop3A_278 = tpu.memref_squeeze %parallel_loop3A_277 : memref<1x128x128xf32, #tpu.memory_space<vmem>> -> memref<128x128xf32, #tpu.memory_space<vmem>>
        %parallel_loop3A_279 = arith.index_cast %parallel_loop3A_150 : i32 to index
        %parallel_loop3A_280 = arith.constant 96 : index
        %parallel_loop3A_281 = tpu.vector_load %parallel_loop3A_278[%parallel_loop3A_279, %parallel_loop3A_280] {strides = array<i32>} : memref<128x128xf32, #tpu.memory_space<vmem>>, vector<1x16xf32>,
        %parallel_loop3A_282 = vector.shape_cast %parallel_loop3A_281 : vector<1x16xf32> to vector<16xf32>
        %parallel_loop3A_283 = vector.shape_cast %parallel_loop3A_274 : vector<16xf32> to vector<1x16xf32>
        tpu.vector_store %parallel_loop3A_278[%parallel_loop3A_279, %parallel_loop3A_280], %parallel_loop3A_283 {strides = array<i32>} : memref<128x128xf32, #tpu.memory_space<vmem>>, vector<1x16xf32>,
        %parallel_loop3A_284 = arith.constant 0 : i32
        %parallel_loop3A_285 = arith.constant 0 : i32
        %parallel_loop3A_286 = tpu.memref_slice %arg7[%parallel_loop3A_82, %parallel_loop3A_284, %parallel_loop3A_285] : memref<2x128x128xf32, #tpu.memory_space<vmem>> -> memref<1x128x128xf32, #tpu.memory_space<vmem>>
        %parallel_loop3A_287 = tpu.memref_squeeze %parallel_loop3A_286 : memref<1x128x128xf32, #tpu.memory_space<vmem>> -> memref<128x128xf32, #tpu.memory_space<vmem>>
        %parallel_loop3A_288 = arith.index_cast %parallel_loop3A_150 : i32 to index
        %parallel_loop3A_289 = arith.constant 112 : index
        %parallel_loop3A_290 = tpu.vector_load %parallel_loop3A_287[%parallel_loop3A_288, %parallel_loop3A_289] {strides = array<i32>} : memref<128x128xf32, #tpu.memory_space<vmem>>, vector<1x16xf32>,
        %parallel_loop3A_291 = vector.shape_cast %parallel_loop3A_290 : vector<1x16xf32> to vector<16xf32>
        %parallel_loop3A_292 = vector.broadcast %squeeze3A : f32 to vector<16xf32>
        %parallel_loop3A_293 = arith.mulf %parallel_loop3A_291, %parallel_loop3A_292 : vector<16xf32>
        %parallel_loop3A_294 = arith.constant 0 : i32
        %parallel_loop3A_295 = arith.constant 0 : i32
        %parallel_loop3A_296 = tpu.memref_slice %arg8[%parallel_loop3A_83, %parallel_loop3A_294, %parallel_loop3A_295] : memref<2x128x128xf32, #tpu.memory_space<vmem>> -> memref<1x128x128xf32, #tpu.memory_space<vmem>>
        %parallel_loop3A_297 = tpu.memref_squeeze %parallel_loop3A_296 : memref<1x128x128xf32, #tpu.memory_space<vmem>> -> memref<128x128xf32, #tpu.memory_space<vmem>>
        %parallel_loop3A_298 = arith.index_cast %parallel_loop3A_150 : i32 to index
        %parallel_loop3A_299 = arith.constant 112 : index
        %parallel_loop3A_300 = tpu.vector_load %parallel_loop3A_297[%parallel_loop3A_298, %parallel_loop3A_299] {strides = array<i32>} : memref<128x128xf32, #tpu.memory_space<vmem>>, vector<1x16xf32>,
        %parallel_loop3A_301 = vector.shape_cast %parallel_loop3A_300 : vector<1x16xf32> to vector<16xf32>
        %parallel_loop3A_302 = vector.shape_cast %parallel_loop3A_293 : vector<16xf32> to vector<1x16xf32>
        tpu.vector_store %parallel_loop3A_297[%parallel_loop3A_298, %parallel_loop3A_299], %parallel_loop3A_302 {strides = array<i32>} : memref<128x128xf32, #tpu.memory_space<vmem>>, vector<1x16xf32>,
      } {sc.loop_unroll_factor = 2 : i64, sc.parallel_access}
      %mul3A_84 = arith.constant 128 : i32
      %mul3A_85 = arith.muli %add3A_66, %mul3A_84 : i32
      %add3A_86 = arith.addi %mul3A_4, %mul3A_85 : i32
      %dma_start3A_87 = arith.constant 0 : i32
      %dma_start3A_88 = arith.constant 0 : i32
      %dma_start3A_89 = arith.constant 0 : i32
      %dma_start3A_90 = tpu.memref_slice %arg8[%dma_start3A_87, %dma_start3A_88, %dma_start3A_89] : memref<2x128x128xf32, #tpu.memory_space<vmem>> -> memref<1x128x128xf32, #tpu.memory_space<vmem>>
      %dma_start3A_91 = tpu.memref_squeeze %dma_start3A_90 : memref<1x128x128xf32, #tpu.memory_space<vmem>> -> memref<128x128xf32, #tpu.memory_space<vmem>>
      %dma_start3A_92 = arith.constant 0 : i32
      %dma_start3A_93 = tpu.memref_slice %arg5[%add3A_86, %dma_start3A_92] : memref<204800x128xf32, #tpu.memory_space<hbm>> -> memref<128x128xf32, #tpu.memory_space<hbm>>
      %dma_start3A_94 = arith.constant 0 : i32
      %dma_start3A_95 = tpu.memref_slice %arg5[%add3A_86, %dma_start3A_94] : memref<204800x128xf32, #tpu.memory_space<hbm>> -> memref<128x128xf32, #tpu.memory_space<hbm>>
      %dma_start3A_96 = arith.constant 0 : i32
      %dma_start3A_97 = arith.constant 0 : i32
      %dma_start3A_98 = tpu.memref_slice %arg8[%dma_start3A_87, %dma_start3A_96, %dma_start3A_97] : memref<2x128x128xf32, #tpu.memory_space<vmem>> -> memref<1x128x128xf32, #tpu.memory_space<vmem>>
      %dma_start3A_99 = tpu.memref_squeeze %dma_start3A_98 : memref<1x128x128xf32, #tpu.memory_space<vmem>> -> memref<128x128xf32, #tpu.memory_space<vmem>>
      tpu.enqueue_dma source(%dma_start3A_99 : memref<128x128xf32, #tpu.memory_space<vmem>>) target(%dma_start3A_95 : memref<128x128xf32, #tpu.memory_space<hbm>>) target_semaphore(%arg11 : memref<!tpu.dma_semaphore, #tpu.memory_space<semaphore_mem>>)
      %lt3A = arith.constant 24 : i32
      %lt3A_100 = arith.cmpi slt, %scan3A_62, %lt3A : i32
      %convert_element_type3A_101 = arith.extui %lt3A_100 : i1 to i32
      %cond3A_102 = arith.constant 0 : i32
      %cond3A_103 = arith.cmpi ne, %convert_element_type3A_101, %cond3A_102 : i32
      scf.if %cond3A_103 {
        %add3A_150 = arith.constant 2 : i32
        %add3A_151 = arith.addi %add3A_66, %add3A_150 : i32
        %dma_start3A_152 = arith.constant 0 : i32
        %dma_start3A_153 = arith.constant 0 : i32
        %dma_start3A_154 = arith.constant 0 : i32
        %dma_start3A_155 = tpu.memref_slice %arg7[%dma_start3A_152, %dma_start3A_153, %dma_start3A_154] : memref<2x128x128xf32, #tpu.memory_space<vmem>> -> memref<1x128x128xf32, #tpu.memory_space<vmem>>
        %dma_start3A_156 = tpu.memref_squeeze %dma_start3A_155 : memref<1x128x128xf32, #tpu.memory_space<vmem>> -> memref<128x128xf32, #tpu.memory_space<vmem>>
        %dma_start3A_157 = arith.constant 0 : i32
        %dma_start3A_158 = tpu.memref_slice %arg6[%add3A_151, %dma_start3A_157] : memref<50x128xi32, #tpu.memory_space<vmem>> -> memref<1x128xi32, #tpu.memory_space<vmem>>
        %dma_start3A_159 = tpu.memref_squeeze %dma_start3A_158 : memref<1x128xi32, #tpu.memory_space<vmem>> -> memref<128xi32, #tpu.memory_space<vmem>>
        %dma_start3A_160 = arith.constant 0 : i32
        %dma_start3A_161 = arith.constant 0 : i32
        %dma_start3A_162 = tpu.memref_slice %arg3[%dma_start3A_160, %dma_start3A_161] : memref<1000000x128xf32, #tpu.memory_space<hbm>> -> memref<1000000x128xf32, #tpu.memory_space<hbm>>
        tpu.enqueue_indirect_dma source(%dma_start3A_162 : memref<1000000x128xf32, #tpu.memory_space<hbm>>) target(%dma_start3A_156 : memref<128x128xf32, #tpu.memory_space<vmem>>) offsets(%dma_start3A_159 : memref<128xi32, #tpu.memory_space<vmem>>) semaphore(%arg9 : memref<!tpu.dma_semaphore, #tpu.memory_space<semaphore_mem>>)
      } else {
      }
      %mul3A_104 = arith.constant 2 : i32
      %mul3A_105 = arith.muli %scan3A_62, %mul3A_104 : i32
      %add3A_106 = arith.constant 1 : i32
      %add3A_107 = arith.addi %mul3A_105, %add3A_106 : i32
      %dma_wait3A_108 = arith.constant 1 : i32
      %dma_wait3A_109 = arith.constant 0 : i32
      %dma_wait3A_110 = arith.constant 0 : i32
      %dma_wait3A_111 = tpu.memref_slice %arg7[%dma_wait3A_108, %dma_wait3A_109, %dma_wait3A_110] : memref<2x128x128xf32, #tpu.memory_space<vmem>> -> memref<1x128x128xf32, #tpu.memory_space<vmem>>
      %dma_wait3A_112 = tpu.memref_squeeze %dma_wait3A_111 : memref<1x128x128xf32, #tpu.memory_space<vmem>> -> memref<128x128xf32, #tpu.memory_space<vmem>>
      %dma_wait3A_113 = arith.constant 0 : i32
      %dma_wait3A_114 = tpu.memref_slice %arg6[%add3A_107, %dma_wait3A_113] : memref<50x128xi32, #tpu.memory_space<vmem>> -> memref<1x128xi32, #tpu.memory_space<vmem>>
      %dma_wait3A_115 = tpu.memref_squeeze %dma_wait3A_114 : memref<1x128xi32, #tpu.memory_space<vmem>> -> memref<128xi32, #tpu.memory_space<vmem>>
      %dma_wait3A_116 = arith.constant 0 : i32
      %dma_wait3A_117 = arith.constant 0 : i32
      %dma_wait3A_118 = tpu.memref_slice %arg3[%dma_wait3A_116, %dma_wait3A_117] : memref<1000000x128xf32, #tpu.memory_space<hbm>> -> memref<1000000x128xf32, #tpu.memory_space<hbm>>
      tpu.wait_indirect_dma semaphore(%arg10 : memref<!tpu.dma_semaphore, #tpu.memory_space<semaphore_mem>>) src(%dma_wait3A_118 : memref<1000000x128xf32, #tpu.memory_space<hbm>>) dst(%dma_wait3A_112 : memref<128x128xf32, #tpu.memory_space<vmem>>)
      %gt3A_119 = arith.constant 0 : i32
      %gt3A_120 = arith.cmpi sgt, %scan3A_62, %gt3A_119 : i32
      %convert_element_type3A_121 = arith.extui %gt3A_120 : i1 to i32
      %cond3A_122 = arith.constant 0 : i32
      %cond3A_123 = arith.cmpi ne, %convert_element_type3A_121, %cond3A_122 : i32
      scf.if %cond3A_123 {
        %sub3A = arith.constant 2 : i32
        %sub3A_150 = arith.subi %add3A_107, %sub3A : i32
        %mul3A_151 = arith.constant 128 : i32
        %mul3A_152 = arith.muli %sub3A_150, %mul3A_151 : i32
        %add3A_153 = arith.addi %mul3A_4, %mul3A_152 : i32
        %dma_wait3A_154 = arith.constant 1 : i32
        %dma_wait3A_155 = arith.constant 0 : i32
        %dma_wait3A_156 = arith.constant 0 : i32
        %dma_wait3A_157 = tpu.memref_slice %arg8[%dma_wait3A_154, %dma_wait3A_155, %dma_wait3A_156] : memref<2x128x128xf32, #tpu.memory_space<vmem>> -> memref<1x128x128xf32, #tpu.memory_space<vmem>>
        %dma_wait3A_158 = tpu.memref_squeeze %dma_wait3A_157 : memref<1x128x128xf32, #tpu.memory_space<vmem>> -> memref<128x128xf32, #tpu.memory_space<vmem>>
        %dma_wait3A_159 = arith.constant 0 : i32
        %dma_wait3A_160 = tpu.memref_slice %arg5[%add3A_153, %dma_wait3A_159] : memref<204800x128xf32, #tpu.memory_space<hbm>> -> memref<128x128xf32, #tpu.memory_space<hbm>>
        %dma_wait3A_161 = arith.constant 0 : i32
        %dma_wait3A_162 = tpu.memref_slice %arg5[%add3A_153, %dma_wait3A_161] : memref<204800x128xf32, #tpu.memory_space<hbm>> -> memref<128x128xf32, #tpu.memory_space<hbm>>
        %dma_wait3A_163 = arith.constant 0 : i32
        %dma_wait3A_164 = arith.constant 0 : i32
        %dma_wait3A_165 = tpu.memref_slice %arg8[%dma_wait3A_154, %dma_wait3A_163, %dma_wait3A_164] : memref<2x128x128xf32, #tpu.memory_space<vmem>> -> memref<1x128x128xf32, #tpu.memory_space<vmem>>
        %dma_wait3A_166 = tpu.memref_squeeze %dma_wait3A_165 : memref<1x128x128xf32, #tpu.memory_space<vmem>> -> memref<128x128xf32, #tpu.memory_space<vmem>>
        tpu.wait_dma2 semaphore(%arg12 : memref<!tpu.dma_semaphore, #tpu.memory_space<semaphore_mem>>) src(%dma_wait3A_166 : memref<128x128xf32, #tpu.memory_space<vmem>>) dst(%dma_wait3A_162 : memref<128x128xf32, #tpu.memory_space<hbm>>)
      } else {
      }
      %parallel_loop3A_124 = arith.constant 0 : i32
      %parallel_loop3A_125 = arith.constant 128 : i32
      %parallel_loop3A_126 = arith.constant 1 : i32
      %parallel_loop3A_127 = arith.constant 1 : i32
      %parallel_loop3A_128 = arith.constant 1 : i32
      scf.for %parallel_loop3A_150 = %parallel_loop3A_124 to %parallel_loop3A_125 step %parallel_loop3A_126  : i32 {
        %parallel_loop3A_151 = arith.constant 0 : i32
        %parallel_loop3A_152 = arith.constant 0 : i32
        %parallel_loop3A_153 = tpu.memref_slice %arg7[%parallel_loop3A_127, %parallel_loop3A_151, %parallel_loop3A_152] : memref<2x128x128xf32, #tpu.memory_space<vmem>> -> memref<1x128x128xf32, #tpu.memory_space<vmem>>
        %parallel_loop3A_154 = tpu.memref_squeeze %parallel_loop3A_153 : memref<1x128x128xf32, #tpu.memory_space<vmem>> -> memref<128x128xf32, #tpu.memory_space<vmem>>
        %parallel_loop3A_155 = arith.index_cast %parallel_loop3A_150 : i32 to index
        %parallel_loop3A_156 = arith.constant 0 : index
        %parallel_loop3A_157 = tpu.vector_load %parallel_loop3A_154[%parallel_loop3A_155, %parallel_loop3A_156] {strides = array<i32>} : memref<128x128xf32, #tpu.memory_space<vmem>>, vector<1x16xf32>,
        %parallel_loop3A_158 = vector.shape_cast %parallel_loop3A_157 : vector<1x16xf32> to vector<16xf32>
        %parallel_loop3A_159 = vector.broadcast %squeeze3A : f32 to vector<16xf32>
        %parallel_loop3A_160 = arith.mulf %parallel_loop3A_158, %parallel_loop3A_159 : vector<16xf32>
        %parallel_loop3A_161 = arith.constant 0 : i32
        %parallel_loop3A_162 = arith.constant 0 : i32
        %parallel_loop3A_163 = tpu.memref_slice %arg8[%parallel_loop3A_128, %parallel_loop3A_161, %parallel_loop3A_162] : memref<2x128x128xf32, #tpu.memory_space<vmem>> -> memref<1x128x128xf32, #tpu.memory_space<vmem>>
        %parallel_loop3A_164 = tpu.memref_squeeze %parallel_loop3A_163 : memref<1x128x128xf32, #tpu.memory_space<vmem>> -> memref<128x128xf32, #tpu.memory_space<vmem>>
        %parallel_loop3A_165 = arith.index_cast %parallel_loop3A_150 : i32 to index
        %parallel_loop3A_166 = arith.constant 0 : index
        %parallel_loop3A_167 = tpu.vector_load %parallel_loop3A_164[%parallel_loop3A_165, %parallel_loop3A_166] {strides = array<i32>} : memref<128x128xf32, #tpu.memory_space<vmem>>, vector<1x16xf32>,
        %parallel_loop3A_168 = vector.shape_cast %parallel_loop3A_167 : vector<1x16xf32> to vector<16xf32>
        %parallel_loop3A_169 = vector.shape_cast %parallel_loop3A_160 : vector<16xf32> to vector<1x16xf32>
        tpu.vector_store %parallel_loop3A_164[%parallel_loop3A_165, %parallel_loop3A_166], %parallel_loop3A_169 {strides = array<i32>} : memref<128x128xf32, #tpu.memory_space<vmem>>, vector<1x16xf32>,
        %parallel_loop3A_170 = arith.constant 0 : i32
        %parallel_loop3A_171 = arith.constant 0 : i32
        %parallel_loop3A_172 = tpu.memref_slice %arg7[%parallel_loop3A_127, %parallel_loop3A_170, %parallel_loop3A_171] : memref<2x128x128xf32, #tpu.memory_space<vmem>> -> memref<1x128x128xf32, #tpu.memory_space<vmem>>
        %parallel_loop3A_173 = tpu.memref_squeeze %parallel_loop3A_172 : memref<1x128x128xf32, #tpu.memory_space<vmem>> -> memref<128x128xf32, #tpu.memory_space<vmem>>
        %parallel_loop3A_174 = arith.index_cast %parallel_loop3A_150 : i32 to index
        %parallel_loop3A_175 = arith.constant 16 : index
        %parallel_loop3A_176 = tpu.vector_load %parallel_loop3A_173[%parallel_loop3A_174, %parallel_loop3A_175] {strides = array<i32>} : memref<128x128xf32, #tpu.memory_space<vmem>>, vector<1x16xf32>,
        %parallel_loop3A_177 = vector.shape_cast %parallel_loop3A_176 : vector<1x16xf32> to vector<16xf32>
        %parallel_loop3A_178 = vector.broadcast %squeeze3A : f32 to vector<16xf32>
        %parallel_loop3A_179 = arith.mulf %parallel_loop3A_177, %parallel_loop3A_178 : vector<16xf32>
        %parallel_loop3A_180 = arith.constant 0 : i32
        %parallel_loop3A_181 = arith.constant 0 : i32
        %parallel_loop3A_182 = tpu.memref_slice %arg8[%parallel_loop3A_128, %parallel_loop3A_180, %parallel_loop3A_181] : memref<2x128x128xf32, #tpu.memory_space<vmem>> -> memref<1x128x128xf32, #tpu.memory_space<vmem>>
        %parallel_loop3A_183 = tpu.memref_squeeze %parallel_loop3A_182 : memref<1x128x128xf32, #tpu.memory_space<vmem>> -> memref<128x128xf32, #tpu.memory_space<vmem>>
        %parallel_loop3A_184 = arith.index_cast %parallel_loop3A_150 : i32 to index
        %parallel_loop3A_185 = arith.constant 16 : index
        %parallel_loop3A_186 = tpu.vector_load %parallel_loop3A_183[%parallel_loop3A_184, %parallel_loop3A_185] {strides = array<i32>} : memref<128x128xf32, #tpu.memory_space<vmem>>, vector<1x16xf32>,
        %parallel_loop3A_187 = vector.shape_cast %parallel_loop3A_186 : vector<1x16xf32> to vector<16xf32>
        %parallel_loop3A_188 = vector.shape_cast %parallel_loop3A_179 : vector<16xf32> to vector<1x16xf32>
        tpu.vector_store %parallel_loop3A_183[%parallel_loop3A_184, %parallel_loop3A_185], %parallel_loop3A_188 {strides = array<i32>} : memref<128x128xf32, #tpu.memory_space<vmem>>, vector<1x16xf32>,
        %parallel_loop3A_189 = arith.constant 0 : i32
        %parallel_loop3A_190 = arith.constant 0 : i32
        %parallel_loop3A_191 = tpu.memref_slice %arg7[%parallel_loop3A_127, %parallel_loop3A_189, %parallel_loop3A_190] : memref<2x128x128xf32, #tpu.memory_space<vmem>> -> memref<1x128x128xf32, #tpu.memory_space<vmem>>
        %parallel_loop3A_192 = tpu.memref_squeeze %parallel_loop3A_191 : memref<1x128x128xf32, #tpu.memory_space<vmem>> -> memref<128x128xf32, #tpu.memory_space<vmem>>
        %parallel_loop3A_193 = arith.index_cast %parallel_loop3A_150 : i32 to index
        %parallel_loop3A_194 = arith.constant 32 : index
        %parallel_loop3A_195 = tpu.vector_load %parallel_loop3A_192[%parallel_loop3A_193, %parallel_loop3A_194] {strides = array<i32>} : memref<128x128xf32, #tpu.memory_space<vmem>>, vector<1x16xf32>,
        %parallel_loop3A_196 = vector.shape_cast %parallel_loop3A_195 : vector<1x16xf32> to vector<16xf32>
        %parallel_loop3A_197 = vector.broadcast %squeeze3A : f32 to vector<16xf32>
        %parallel_loop3A_198 = arith.mulf %parallel_loop3A_196, %parallel_loop3A_197 : vector<16xf32>
        %parallel_loop3A_199 = arith.constant 0 : i32
        %parallel_loop3A_200 = arith.constant 0 : i32
        %parallel_loop3A_201 = tpu.memref_slice %arg8[%parallel_loop3A_128, %parallel_loop3A_199, %parallel_loop3A_200] : memref<2x128x128xf32, #tpu.memory_space<vmem>> -> memref<1x128x128xf32, #tpu.memory_space<vmem>>
        %parallel_loop3A_202 = tpu.memref_squeeze %parallel_loop3A_201 : memref<1x128x128xf32, #tpu.memory_space<vmem>> -> memref<128x128xf32, #tpu.memory_space<vmem>>
        %parallel_loop3A_203 = arith.index_cast %parallel_loop3A_150 : i32 to index
        %parallel_loop3A_204 = arith.constant 32 : index
        %parallel_loop3A_205 = tpu.vector_load %parallel_loop3A_202[%parallel_loop3A_203, %parallel_loop3A_204] {strides = array<i32>} : memref<128x128xf32, #tpu.memory_space<vmem>>, vector<1x16xf32>,
        %parallel_loop3A_206 = vector.shape_cast %parallel_loop3A_205 : vector<1x16xf32> to vector<16xf32>
        %parallel_loop3A_207 = vector.shape_cast %parallel_loop3A_198 : vector<16xf32> to vector<1x16xf32>
        tpu.vector_store %parallel_loop3A_202[%parallel_loop3A_203, %parallel_loop3A_204], %parallel_loop3A_207 {strides = array<i32>} : memref<128x128xf32, #tpu.memory_space<vmem>>, vector<1x16xf32>,
        %parallel_loop3A_208 = arith.constant 0 : i32
        %parallel_loop3A_209 = arith.constant 0 : i32
        %parallel_loop3A_210 = tpu.memref_slice %arg7[%parallel_loop3A_127, %parallel_loop3A_208, %parallel_loop3A_209] : memref<2x128x128xf32, #tpu.memory_space<vmem>> -> memref<1x128x128xf32, #tpu.memory_space<vmem>>
        %parallel_loop3A_211 = tpu.memref_squeeze %parallel_loop3A_210 : memref<1x128x128xf32, #tpu.memory_space<vmem>> -> memref<128x128xf32, #tpu.memory_space<vmem>>
        %parallel_loop3A_212 = arith.index_cast %parallel_loop3A_150 : i32 to index
        %parallel_loop3A_213 = arith.constant 48 : index
        %parallel_loop3A_214 = tpu.vector_load %parallel_loop3A_211[%parallel_loop3A_212, %parallel_loop3A_213] {strides = array<i32>} : memref<128x128xf32, #tpu.memory_space<vmem>>, vector<1x16xf32>,
        %parallel_loop3A_215 = vector.shape_cast %parallel_loop3A_214 : vector<1x16xf32> to vector<16xf32>
        %parallel_loop3A_216 = vector.broadcast %squeeze3A : f32 to vector<16xf32>
        %parallel_loop3A_217 = arith.mulf %parallel_loop3A_215, %parallel_loop3A_216 : vector<16xf32>
        %parallel_loop3A_218 = arith.constant 0 : i32
        %parallel_loop3A_219 = arith.constant 0 : i32
        %parallel_loop3A_220 = tpu.memref_slice %arg8[%parallel_loop3A_128, %parallel_loop3A_218, %parallel_loop3A_219] : memref<2x128x128xf32, #tpu.memory_space<vmem>> -> memref<1x128x128xf32, #tpu.memory_space<vmem>>
        %parallel_loop3A_221 = tpu.memref_squeeze %parallel_loop3A_220 : memref<1x128x128xf32, #tpu.memory_space<vmem>> -> memref<128x128xf32, #tpu.memory_space<vmem>>
        %parallel_loop3A_222 = arith.index_cast %parallel_loop3A_150 : i32 to index
        %parallel_loop3A_223 = arith.constant 48 : index
        %parallel_loop3A_224 = tpu.vector_load %parallel_loop3A_221[%parallel_loop3A_222, %parallel_loop3A_223] {strides = array<i32>} : memref<128x128xf32, #tpu.memory_space<vmem>>, vector<1x16xf32>,
        %parallel_loop3A_225 = vector.shape_cast %parallel_loop3A_224 : vector<1x16xf32> to vector<16xf32>
        %parallel_loop3A_226 = vector.shape_cast %parallel_loop3A_217 : vector<16xf32> to vector<1x16xf32>
        tpu.vector_store %parallel_loop3A_221[%parallel_loop3A_222, %parallel_loop3A_223], %parallel_loop3A_226 {strides = array<i32>} : memref<128x128xf32, #tpu.memory_space<vmem>>, vector<1x16xf32>,
        %parallel_loop3A_227 = arith.constant 0 : i32
        %parallel_loop3A_228 = arith.constant 0 : i32
        %parallel_loop3A_229 = tpu.memref_slice %arg7[%parallel_loop3A_127, %parallel_loop3A_227, %parallel_loop3A_228] : memref<2x128x128xf32, #tpu.memory_space<vmem>> -> memref<1x128x128xf32, #tpu.memory_space<vmem>>
        %parallel_loop3A_230 = tpu.memref_squeeze %parallel_loop3A_229 : memref<1x128x128xf32, #tpu.memory_space<vmem>> -> memref<128x128xf32, #tpu.memory_space<vmem>>
        %parallel_loop3A_231 = arith.index_cast %parallel_loop3A_150 : i32 to index
        %parallel_loop3A_232 = arith.constant 64 : index
        %parallel_loop3A_233 = tpu.vector_load %parallel_loop3A_230[%parallel_loop3A_231, %parallel_loop3A_232] {strides = array<i32>} : memref<128x128xf32, #tpu.memory_space<vmem>>, vector<1x16xf32>,
        %parallel_loop3A_234 = vector.shape_cast %parallel_loop3A_233 : vector<1x16xf32> to vector<16xf32>
        %parallel_loop3A_235 = vector.broadcast %squeeze3A : f32 to vector<16xf32>
        %parallel_loop3A_236 = arith.mulf %parallel_loop3A_234, %parallel_loop3A_235 : vector<16xf32>
        %parallel_loop3A_237 = arith.constant 0 : i32
        %parallel_loop3A_238 = arith.constant 0 : i32
        %parallel_loop3A_239 = tpu.memref_slice %arg8[%parallel_loop3A_128, %parallel_loop3A_237, %parallel_loop3A_238] : memref<2x128x128xf32, #tpu.memory_space<vmem>> -> memref<1x128x128xf32, #tpu.memory_space<vmem>>
        %parallel_loop3A_240 = tpu.memref_squeeze %parallel_loop3A_239 : memref<1x128x128xf32, #tpu.memory_space<vmem>> -> memref<128x128xf32, #tpu.memory_space<vmem>>
        %parallel_loop3A_241 = arith.index_cast %parallel_loop3A_150 : i32 to index
        %parallel_loop3A_242 = arith.constant 64 : index
        %parallel_loop3A_243 = tpu.vector_load %parallel_loop3A_240[%parallel_loop3A_241, %parallel_loop3A_242] {strides = array<i32>} : memref<128x128xf32, #tpu.memory_space<vmem>>, vector<1x16xf32>,
        %parallel_loop3A_244 = vector.shape_cast %parallel_loop3A_243 : vector<1x16xf32> to vector<16xf32>
        %parallel_loop3A_245 = vector.shape_cast %parallel_loop3A_236 : vector<16xf32> to vector<1x16xf32>
        tpu.vector_store %parallel_loop3A_240[%parallel_loop3A_241, %parallel_loop3A_242], %parallel_loop3A_245 {strides = array<i32>} : memref<128x128xf32, #tpu.memory_space<vmem>>, vector<1x16xf32>,
        %parallel_loop3A_246 = arith.constant 0 : i32
        %parallel_loop3A_247 = arith.constant 0 : i32
        %parallel_loop3A_248 = tpu.memref_slice %arg7[%parallel_loop3A_127, %parallel_loop3A_246, %parallel_loop3A_247] : memref<2x128x128xf32, #tpu.memory_space<vmem>> -> memref<1x128x128xf32, #tpu.memory_space<vmem>>
        %parallel_loop3A_249 = tpu.memref_squeeze %parallel_loop3A_248 : memref<1x128x128xf32, #tpu.memory_space<vmem>> -> memref<128x128xf32, #tpu.memory_space<vmem>>
        %parallel_loop3A_250 = arith.index_cast %parallel_loop3A_150 : i32 to index
        %parallel_loop3A_251 = arith.constant 80 : index
        %parallel_loop3A_252 = tpu.vector_load %parallel_loop3A_249[%parallel_loop3A_250, %parallel_loop3A_251] {strides = array<i32>} : memref<128x128xf32, #tpu.memory_space<vmem>>, vector<1x16xf32>,
        %parallel_loop3A_253 = vector.shape_cast %parallel_loop3A_252 : vector<1x16xf32> to vector<16xf32>
        %parallel_loop3A_254 = vector.broadcast %squeeze3A : f32 to vector<16xf32>
        %parallel_loop3A_255 = arith.mulf %parallel_loop3A_253, %parallel_loop3A_254 : vector<16xf32>
        %parallel_loop3A_256 = arith.constant 0 : i32
        %parallel_loop3A_257 = arith.constant 0 : i32
        %parallel_loop3A_258 = tpu.memref_slice %arg8[%parallel_loop3A_128, %parallel_loop3A_256, %parallel_loop3A_257] : memref<2x128x128xf32, #tpu.memory_space<vmem>> -> memref<1x128x128xf32, #tpu.memory_space<vmem>>
        %parallel_loop3A_259 = tpu.memref_squeeze %parallel_loop3A_258 : memref<1x128x128xf32, #tpu.memory_space<vmem>> -> memref<128x128xf32, #tpu.memory_space<vmem>>
        %parallel_loop3A_260 = arith.index_cast %parallel_loop3A_150 : i32 to index
        %parallel_loop3A_261 = arith.constant 80 : index
        %parallel_loop3A_262 = tpu.vector_load %parallel_loop3A_259[%parallel_loop3A_260, %parallel_loop3A_261] {strides = array<i32>} : memref<128x128xf32, #tpu.memory_space<vmem>>, vector<1x16xf32>,
        %parallel_loop3A_263 = vector.shape_cast %parallel_loop3A_262 : vector<1x16xf32> to vector<16xf32>
        %parallel_loop3A_264 = vector.shape_cast %parallel_loop3A_255 : vector<16xf32> to vector<1x16xf32>
        tpu.vector_store %parallel_loop3A_259[%parallel_loop3A_260, %parallel_loop3A_261], %parallel_loop3A_264 {strides = array<i32>} : memref<128x128xf32, #tpu.memory_space<vmem>>, vector<1x16xf32>,
        %parallel_loop3A_265 = arith.constant 0 : i32
        %parallel_loop3A_266 = arith.constant 0 : i32
        %parallel_loop3A_267 = tpu.memref_slice %arg7[%parallel_loop3A_127, %parallel_loop3A_265, %parallel_loop3A_266] : memref<2x128x128xf32, #tpu.memory_space<vmem>> -> memref<1x128x128xf32, #tpu.memory_space<vmem>>
        %parallel_loop3A_268 = tpu.memref_squeeze %parallel_loop3A_267 : memref<1x128x128xf32, #tpu.memory_space<vmem>> -> memref<128x128xf32, #tpu.memory_space<vmem>>
        %parallel_loop3A_269 = arith.index_cast %parallel_loop3A_150 : i32 to index
        %parallel_loop3A_270 = arith.constant 96 : index
        %parallel_loop3A_271 = tpu.vector_load %parallel_loop3A_268[%parallel_loop3A_269, %parallel_loop3A_270] {strides = array<i32>} : memref<128x128xf32, #tpu.memory_space<vmem>>, vector<1x16xf32>,
        %parallel_loop3A_272 = vector.shape_cast %parallel_loop3A_271 : vector<1x16xf32> to vector<16xf32>
        %parallel_loop3A_273 = vector.broadcast %squeeze3A : f32 to vector<16xf32>
        %parallel_loop3A_274 = arith.mulf %parallel_loop3A_272, %parallel_loop3A_273 : vector<16xf32>
        %parallel_loop3A_275 = arith.constant 0 : i32
        %parallel_loop3A_276 = arith.constant 0 : i32
        %parallel_loop3A_277 = tpu.memref_slice %arg8[%parallel_loop3A_128, %parallel_loop3A_275, %parallel_loop3A_276] : memref<2x128x128xf32, #tpu.memory_space<vmem>> -> memref<1x128x128xf32, #tpu.memory_space<vmem>>
        %parallel_loop3A_278 = tpu.memref_squeeze %parallel_loop3A_277 : memref<1x128x128xf32, #tpu.memory_space<vmem>> -> memref<128x128xf32, #tpu.memory_space<vmem>>
        %parallel_loop3A_279 = arith.index_cast %parallel_loop3A_150 : i32 to index
        %parallel_loop3A_280 = arith.constant 96 : index
        %parallel_loop3A_281 = tpu.vector_load %parallel_loop3A_278[%parallel_loop3A_279, %parallel_loop3A_280] {strides = array<i32>} : memref<128x128xf32, #tpu.memory_space<vmem>>, vector<1x16xf32>,
        %parallel_loop3A_282 = vector.shape_cast %parallel_loop3A_281 : vector<1x16xf32> to vector<16xf32>
        %parallel_loop3A_283 = vector.shape_cast %parallel_loop3A_274 : vector<16xf32> to vector<1x16xf32>
        tpu.vector_store %parallel_loop3A_278[%parallel_loop3A_279, %parallel_loop3A_280], %parallel_loop3A_283 {strides = array<i32>} : memref<128x128xf32, #tpu.memory_space<vmem>>, vector<1x16xf32>,
        %parallel_loop3A_284 = arith.constant 0 : i32
        %parallel_loop3A_285 = arith.constant 0 : i32
        %parallel_loop3A_286 = tpu.memref_slice %arg7[%parallel_loop3A_127, %parallel_loop3A_284, %parallel_loop3A_285] : memref<2x128x128xf32, #tpu.memory_space<vmem>> -> memref<1x128x128xf32, #tpu.memory_space<vmem>>
        %parallel_loop3A_287 = tpu.memref_squeeze %parallel_loop3A_286 : memref<1x128x128xf32, #tpu.memory_space<vmem>> -> memref<128x128xf32, #tpu.memory_space<vmem>>
        %parallel_loop3A_288 = arith.index_cast %parallel_loop3A_150 : i32 to index
        %parallel_loop3A_289 = arith.constant 112 : index
        %parallel_loop3A_290 = tpu.vector_load %parallel_loop3A_287[%parallel_loop3A_288, %parallel_loop3A_289] {strides = array<i32>} : memref<128x128xf32, #tpu.memory_space<vmem>>, vector<1x16xf32>,
        %parallel_loop3A_291 = vector.shape_cast %parallel_loop3A_290 : vector<1x16xf32> to vector<16xf32>
        %parallel_loop3A_292 = vector.broadcast %squeeze3A : f32 to vector<16xf32>
        %parallel_loop3A_293 = arith.mulf %parallel_loop3A_291, %parallel_loop3A_292 : vector<16xf32>
        %parallel_loop3A_294 = arith.constant 0 : i32
        %parallel_loop3A_295 = arith.constant 0 : i32
        %parallel_loop3A_296 = tpu.memref_slice %arg8[%parallel_loop3A_128, %parallel_loop3A_294, %parallel_loop3A_295] : memref<2x128x128xf32, #tpu.memory_space<vmem>> -> memref<1x128x128xf32, #tpu.memory_space<vmem>>
        %parallel_loop3A_297 = tpu.memref_squeeze %parallel_loop3A_296 : memref<1x128x128xf32, #tpu.memory_space<vmem>> -> memref<128x128xf32, #tpu.memory_space<vmem>>
        %parallel_loop3A_298 = arith.index_cast %parallel_loop3A_150 : i32 to index
        %parallel_loop3A_299 = arith.constant 112 : index
        %parallel_loop3A_300 = tpu.vector_load %parallel_loop3A_297[%parallel_loop3A_298, %parallel_loop3A_299] {strides = array<i32>} : memref<128x128xf32, #tpu.memory_space<vmem>>, vector<1x16xf32>,
        %parallel_loop3A_301 = vector.shape_cast %parallel_loop3A_300 : vector<1x16xf32> to vector<16xf32>
        %parallel_loop3A_302 = vector.shape_cast %parallel_loop3A_293 : vector<16xf32> to vector<1x16xf32>
        tpu.vector_store %parallel_loop3A_297[%parallel_loop3A_298, %parallel_loop3A_299], %parallel_loop3A_302 {strides = array<i32>} : memref<128x128xf32, #tpu.memory_space<vmem>>, vector<1x16xf32>,
      } {sc.loop_unroll_factor = 2 : i64, sc.parallel_access}
      %mul3A_129 = arith.constant 128 : i32
      %mul3A_130 = arith.muli %add3A_107, %mul3A_129 : i32
      %add3A_131 = arith.addi %mul3A_4, %mul3A_130 : i32
      %dma_start3A_132 = arith.constant 1 : i32
      %dma_start3A_133 = arith.constant 0 : i32
      %dma_start3A_134 = arith.constant 0 : i32
      %dma_start3A_135 = tpu.memref_slice %arg8[%dma_start3A_132, %dma_start3A_133, %dma_start3A_134] : memref<2x128x128xf32, #tpu.memory_space<vmem>> -> memref<1x128x128xf32, #tpu.memory_space<vmem>>
      %dma_start3A_136 = tpu.memref_squeeze %dma_start3A_135 : memref<1x128x128xf32, #tpu.memory_space<vmem>> -> memref<128x128xf32, #tpu.memory_space<vmem>>
      %dma_start3A_137 = arith.constant 0 : i32
      %dma_start3A_138 = tpu.memref_slice %arg5[%add3A_131, %dma_start3A_137] : memref<204800x128xf32, #tpu.memory_space<hbm>> -> memref<128x128xf32, #tpu.memory_space<hbm>>
      %dma_start3A_139 = arith.constant 0 : i32
      %dma_start3A_140 = tpu.memref_slice %arg5[%add3A_131, %dma_start3A_139] : memref<204800x128xf32, #tpu.memory_space<hbm>> -> memref<128x128xf32, #tpu.memory_space<hbm>>
      %dma_start3A_141 = arith.constant 0 : i32
      %dma_start3A_142 = arith.constant 0 : i32
      %dma_start3A_143 = tpu.memref_slice %arg8[%dma_start3A_132, %dma_start3A_141, %dma_start3A_142] : memref<2x128x128xf32, #tpu.memory_space<vmem>> -> memref<1x128x128xf32, #tpu.memory_space<vmem>>
      %dma_start3A_144 = tpu.memref_squeeze %dma_start3A_143 : memref<1x128x128xf32, #tpu.memory_space<vmem>> -> memref<128x128xf32, #tpu.memory_space<vmem>>
      tpu.enqueue_dma source(%dma_start3A_144 : memref<128x128xf32, #tpu.memory_space<vmem>>) target(%dma_start3A_140 : memref<128x128xf32, #tpu.memory_space<hbm>>) target_semaphore(%arg12 : memref<!tpu.dma_semaphore, #tpu.memory_space<semaphore_mem>>)
      %lt3A_145 = arith.constant 24 : i32
      %lt3A_146 = arith.cmpi slt, %scan3A_62, %lt3A_145 : i32
      %convert_element_type3A_147 = arith.extui %lt3A_146 : i1 to i32
      %cond3A_148 = arith.constant 0 : i32
      %cond3A_149 = arith.cmpi ne, %convert_element_type3A_147, %cond3A_148 : i32
      scf.if %cond3A_149 {
        %add3A_150 = arith.constant 2 : i32
        %add3A_151 = arith.addi %add3A_107, %add3A_150 : i32
        %dma_start3A_152 = arith.constant 1 : i32
        %dma_start3A_153 = arith.constant 0 : i32
        %dma_start3A_154 = arith.constant 0 : i32
        %dma_start3A_155 = tpu.memref_slice %arg7[%dma_start3A_152, %dma_start3A_153, %dma_start3A_154] : memref<2x128x128xf32, #tpu.memory_space<vmem>> -> memref<1x128x128xf32, #tpu.memory_space<vmem>>
        %dma_start3A_156 = tpu.memref_squeeze %dma_start3A_155 : memref<1x128x128xf32, #tpu.memory_space<vmem>> -> memref<128x128xf32, #tpu.memory_space<vmem>>
        %dma_start3A_157 = arith.constant 0 : i32
        %dma_start3A_158 = tpu.memref_slice %arg6[%add3A_151, %dma_start3A_157] : memref<50x128xi32, #tpu.memory_space<vmem>> -> memref<1x128xi32, #tpu.memory_space<vmem>>
        %dma_start3A_159 = tpu.memref_squeeze %dma_start3A_158 : memref<1x128xi32, #tpu.memory_space<vmem>> -> memref<128xi32, #tpu.memory_space<vmem>>
        %dma_start3A_160 = arith.constant 0 : i32
        %dma_start3A_161 = arith.constant 0 : i32
        %dma_start3A_162 = tpu.memref_slice %arg3[%dma_start3A_160, %dma_start3A_161] : memref<1000000x128xf32, #tpu.memory_space<hbm>> -> memref<1000000x128xf32, #tpu.memory_space<hbm>>
        tpu.enqueue_indirect_dma source(%dma_start3A_162 : memref<1000000x128xf32, #tpu.memory_space<hbm>>) target(%dma_start3A_156 : memref<128x128xf32, #tpu.memory_space<vmem>>) offsets(%dma_start3A_159 : memref<128xi32, #tpu.memory_space<vmem>>) semaphore(%arg10 : memref<!tpu.dma_semaphore, #tpu.memory_space<semaphore_mem>>)
      } else {
      }
    }
    %scan3A_32 = arith.constant 25 : i32
    %add3A_33 = arith.constant 6144 : i32
    %add3A_34 = arith.addi %mul3A_4, %add3A_33 : i32
    %dma_wait3A = arith.constant 0 : i32
    %dma_wait3A_35 = arith.constant 0 : i32
    %dma_wait3A_36 = arith.constant 0 : i32
    %dma_wait3A_37 = tpu.memref_slice %arg8[%dma_wait3A, %dma_wait3A_35, %dma_wait3A_36] : memref<2x128x128xf32, #tpu.memory_space<vmem>> -> memref<1x128x128xf32, #tpu.memory_space<vmem>>
    %dma_wait3A_38 = tpu.memref_squeeze %dma_wait3A_37 : memref<1x128x128xf32, #tpu.memory_space<vmem>> -> memref<128x128xf32, #tpu.memory_space<vmem>>
    %dma_wait3A_39 = arith.constant 0 : i32
    %dma_wait3A_40 = tpu.memref_slice %arg5[%add3A_34, %dma_wait3A_39] : memref<204800x128xf32, #tpu.memory_space<hbm>> -> memref<128x128xf32, #tpu.memory_space<hbm>>
    %dma_wait3A_41 = arith.constant 0 : i32
    %dma_wait3A_42 = tpu.memref_slice %arg5[%add3A_34, %dma_wait3A_41] : memref<204800x128xf32, #tpu.memory_space<hbm>> -> memref<128x128xf32, #tpu.memory_space<hbm>>
    %dma_wait3A_43 = arith.constant 0 : i32
    %dma_wait3A_44 = arith.constant 0 : i32
    %dma_wait3A_45 = tpu.memref_slice %arg8[%dma_wait3A, %dma_wait3A_43, %dma_wait3A_44] : memref<2x128x128xf32, #tpu.memory_space<vmem>> -> memref<1x128x128xf32, #tpu.memory_space<vmem>>
    %dma_wait3A_46 = tpu.memref_squeeze %dma_wait3A_45 : memref<1x128x128xf32, #tpu.memory_space<vmem>> -> memref<128x128xf32, #tpu.memory_space<vmem>>
    tpu.wait_dma2 semaphore(%arg11 : memref<!tpu.dma_semaphore, #tpu.memory_space<semaphore_mem>>) src(%dma_wait3A_46 : memref<128x128xf32, #tpu.memory_space<vmem>>) dst(%dma_wait3A_42 : memref<128x128xf32, #tpu.memory_space<hbm>>)
    %add3A_47 = arith.constant 6272 : i32
    %add3A_48 = arith.addi %mul3A_4, %add3A_47 : i32
    %dma_wait3A_49 = arith.constant 1 : i32
    %dma_wait3A_50 = arith.constant 0 : i32
    %dma_wait3A_51 = arith.constant 0 : i32
    %dma_wait3A_52 = tpu.memref_slice %arg8[%dma_wait3A_49, %dma_wait3A_50, %dma_wait3A_51] : memref<2x128x128xf32, #tpu.memory_space<vmem>> -> memref<1x128x128xf32, #tpu.memory_space<vmem>>
    %dma_wait3A_53 = tpu.memref_squeeze %dma_wait3A_52 : memref<1x128x128xf32, #tpu.memory_space<vmem>> -> memref<128x128xf32, #tpu.memory_space<vmem>>
    %dma_wait3A_54 = arith.constant 0 : i32
    %dma_wait3A_55 = tpu.memref_slice %arg5[%add3A_48, %dma_wait3A_54] : memref<204800x128xf32, #tpu.memory_space<hbm>> -> memref<128x128xf32, #tpu.memory_space<hbm>>
    %dma_wait3A_56 = arith.constant 0 : i32
    %dma_wait3A_57 = tpu.memref_slice %arg5[%add3A_48, %dma_wait3A_56] : memref<204800x128xf32, #tpu.memory_space<hbm>> -> memref<128x128xf32, #tpu.memory_space<hbm>>
    %dma_wait3A_58 = arith.constant 0 : i32
    %dma_wait3A_59 = arith.constant 0 : i32
    %dma_wait3A_60 = tpu.memref_slice %arg8[%dma_wait3A_49, %dma_wait3A_58, %dma_wait3A_59] : memref<2x128x128xf32, #tpu.memory_space<vmem>> -> memref<1x128x128xf32, #tpu.memory_space<vmem>>
    %dma_wait3A_61 = tpu.memref_squeeze %dma_wait3A_60 : memref<1x128x128xf32, #tpu.memory_space<vmem>> -> memref<128x128xf32, #tpu.memory_space<vmem>>
    tpu.wait_dma2 semaphore(%arg12 : memref<!tpu.dma_semaphore, #tpu.memory_space<semaphore_mem>>) src(%dma_wait3A_61 : memref<128x128xf32, #tpu.memory_space<vmem>>) dst(%dma_wait3A_57 : memref<128x128xf32, #tpu.memory_space<hbm>>)
    return
  }
}

</mosaic_0001>

<sc_bundles>
// kernel: _emb_lookup.3.cloned.1.call-start
scs
__scs_entry_jumppad:
0x0: {  	(pc) =	sbr.rel $0x88, $3  }
0x1: {  	(tag) =	ssettag $0x0;
	lr =	simm.s32 $0x1  }
0x2: {  	[smem:$0x3F9F] =	sst lr;
	_ =	strace $0xD0000000  }
0x3: {  	_ = 	snop  }
0x4: {  	_ = 	snop  }
0x5: {  	_ = 	snop  }
0x6: {  	_ = 	snop  }
0x7: {  	_ = 	snop  }
__scs_overlays_trampoline_lowered:
0x8: {  	[smem:$0x3FAE] =	sst s0  }
0x9: {  	[smem:$0x3FAF] =	sst s1  }
0xa: {  	[smem:$0x3FB0] =	sst s2  }
0xb: {  	[smem:$0x3FB1] =	sst s3  }
0xc: {  	[smem:$0x3FB2] =	sst s4  }
0xd: {  	[smem:$0x3FB3] =	sst s5  }
0xe: {  	[smem:$0x3FB4] =	sst s6  }
0xf: {  	[smem:$0x3FB5] =	sst s7  }
0x10: {  	[smem:$0x3FB6] =	sst s8  }
0x11: {  	[smem:$0x3FB7] =	sst s9;
	s0 =	simm.s32 @!p0 $0x0  }
0x12: {  	s1 =	sld [smem:$0x3F9D];
	s0 =	simm.s32 @p0 $0x1  }
0x13: {  	[smem:$0x3FB8] =	sst s0;
	s0 =	simm.s32 @!p1 $0x0  }
0x14: {  	s2 =	sld [smem:$0x3F9C];
	s0 =	simm.s32 @p1 $0x1  }
0x15: {  	[smem:$0x3FB9] =	sst s0;
	s0 =	simm.s32 @!p2 $0x0  }
0x16: {  	s3 =	sld [smem:$0x3FDB];
	s0 =	simm.s32 @p2 $0x1  }
0x17: {  	s4 =	simm.s32 $0x1BF5;
	[smem:$0x3FBB] =	sst s0  }
0x18: {  	s0 =	sld [smem:$0x3F9E];
	_ =	swait.ge [sflag:s4], $0x0  }
0x19: {  	s7 =	sld [smem:$0x3F9F]  }
0x1a: {  	s8 =	sadd.s32 $0xFFFFE003, lr  }
0x1b: {  	s9 =	sadd.s32 $0xFFFFFEF7, lr;
	s5 =	simm.s32 $0xFFFFFFFF;
	p2 =	slt.u32 s8, $0xFFFFF086  }
0x1c: {  	p1 =	slt.u32 s9, $0xF7A;
	s5 =	simm.s32 @!p2 $0x0  }
0x1d: {  	s5 =	simm.s32 @p1 $0x1;
	p0 =	seq.s32 s7, s2  }
0x1e: {  	s7 =	smul.u32 @!p0 $0xF7A, s2;
	p2 =	seq.s32 @!p0 s5, $0x0  }
0x1f: {  	s9 =	smul.u32 $0xF7A, s1;
	s8 =	simm.s32 @!p0 $0x1BF5;
	p2 =	por !p2, p0  }
0x20: {  	[sflag:s8] =	ssyncset.s32 @!p0 $0xFFFFF086;
	s6 =	sadd.s32 @!p0 s3, s7;
	s7 =	simm.s32 @!p0 $0x108  }
0x21: {  	s3 =	sadd.s32 s3, s9;
	s6 =	sadd.s32 @!p0 $0x88, s6;
	s7 =	simm.s32 @p2 $0x1082  }
0x22: {  	[simem:s7], [sflag:s8] =	dma.local @!p0 [hbm:s6], $0xF7A  }
0x23: {  	s9 =	sor.u32 $0xD0000000, s2;
	s6 =	simm.s32 $0x108;
	_ =	swait.ge @!p0 [sflag:s8], $0x0  }
0x24: {  	s3 =	sadd.s32 $0x88, s3;
	s6 =	simm.s32 @!p1 $0x1082;
	[sflag:s4] =	ssyncset.s32 $0xFFFFF086  }
0x25: {  	[simem:s6], [sflag:s4] =	dma.local [hbm:s3], $0xF7A  }
0x26: {  	[smem:$0x3F9F] =	sst s1;
	(tag) =	ssettag s2;
	_ =	strace s9  }
0x27: {  	s1 =	sld [smem:$0x3FAF]  }
0x28: {  	s2 =	sld [smem:$0x3FB0]  }
0x29: {  	s4 =	sld [smem:$0x3FB2]  }
0x2a: {  	p0 =	seq.s32 s5, $0x0;
	s5 =	sld [smem:$0x3FB3]  }
0x2b: {  	s6 =	sld [smem:$0x3FB4]  }
0x2c: {  	s7 =	sld [smem:$0x3FB5]  }
0x2d: {  	s3 =	simm.s32 $0x108;
	s8 =	sld [smem:$0x3FB6]  }
0x2e: {  	s3 =	simm.s32 @!p0 $0x1082;
	s9 =	sld [smem:$0x3FB7]  }
0x2f: {  	lr =	sadd.s32 s0, s3;
	s0 =	sld [smem:$0x3FAE]  }
0x30: {  	s3 =	sld [smem:$0x3FB1]  }
0x31: {  	[smem:$0x3FBA] =	sst s10  }
0x32: {  	s10 =	sld [smem:$0x3FB8];
	_ =	sdelay $0x3  }
0x33: {  	p0 =	seq.s32 s10, $0x1;
	s10 =	sld [smem:$0x3FBA];
	_ =	sdelay $0x3  }
0x34: {  	[smem:$0x3FBA] =	sst s10  }
0x35: {  	s10 =	sld [smem:$0x3FB9];
	_ =	sdelay $0x3  }
0x36: {  	p1 =	seq.s32 s10, $0x1;
	s10 =	sld [smem:$0x3FBA];
	_ =	sdelay $0x3  }
0x37: {  	[smem:$0x3FBA] =	sst s10  }
0x38: {  	s10 =	sld [smem:$0x3FBB]  }
0x39: {  	_ = 	snop;
	(pc) =	sbr.ind lr, $3  }
0x3a: {  	_ = 	snop  }
0x3b: {  	_ = 	snop  }
0x3c: {  	p2 =	seq.s32 s10, $0x1;
	s10 =	sld [smem:$0x3FBA]  }
0x3d: {  	_ =	shalt  }
0x3e: {  	_ =	shalt  }
0x3f: {  	_ =	shalt  }
0x40: {  	_ =	shalt  }
0x41: {  	_ =	shalt  }
0x42: {  	_ =	shalt  }
0x43: {  	_ =	shalt  }
0x44: {  	_ =	shalt  }
0x45: {  	_ =	shalt  }
0x46: {  	_ =	shalt  }
0x47: {  	_ =	shalt  }
0x48: {  	_ =	shalt  }
0x49: {  	_ =	shalt  }
0x4a: {  	_ =	shalt  }
0x4b: {  	_ =	shalt  }
0x4c: {  	_ =	shalt  }
0x4d: {  	_ =	shalt  }
0x4e: {  	_ =	shalt  }
0x4f: {  	_ =	shalt  }
0x50: {  	_ =	shalt  }
0x51: {  	_ =	shalt  }
0x52: {  	_ =	shalt  }
0x53: {  	_ =	shalt  }
0x54: {  	_ =	shalt  }
0x55: {  	_ =	shalt  }
0x56: {  	_ =	shalt  }
0x57: {  	_ =	shalt  }
0x58: {  	_ =	shalt  }
0x59: {  	_ =	shalt  }
0x5a: {  	_ =	shalt  }
0x5b: {  	_ =	shalt  }
0x5c: {  	_ =	shalt  }
0x5d: {  	_ =	shalt  }
0x5e: {  	_ =	shalt  }
0x5f: {  	_ =	shalt  }
0x60: {  	_ =	shalt  }
0x61: {  	_ =	shalt  }
0x62: {  	_ =	shalt  }
0x63: {  	_ =	shalt  }
0x64: {  	_ =	shalt  }
0x65: {  	_ =	shalt  }
0x66: {  	_ =	shalt  }
0x67: {  	_ =	shalt  }
0x68: {  	_ =	shalt  }
0x69: {  	_ =	shalt  }
0x6a: {  	_ =	shalt  }
0x6b: {  	_ =	shalt  }
0x6c: {  	_ =	shalt  }
0x6d: {  	_ =	shalt  }
0x6e: {  	_ =	shalt  }
0x6f: {  	_ =	shalt  }
0x70: {  	_ =	shalt  }
0x71: {  	_ =	shalt  }
0x72: {  	_ =	shalt  }
0x73: {  	_ =	shalt  }
0x74: {  	_ =	shalt  }
0x75: {  	_ =	shalt  }
0x76: {  	_ =	shalt  }
0x77: {  	_ =	shalt  }
0x78: {  	_ =	shalt  }
0x79: {  	_ =	shalt  }
0x7a: {  	_ =	shalt  }
0x7b: {  	_ =	shalt  }
0x7c: {  	_ =	shalt  }
0x7d: {  	_ =	shalt  }
0x7e: {  	_ =	shalt  }
0x7f: {  	_ =	shalt  }
0x80: {  	_ =	shalt  }
0x81: {  	_ =	shalt  }
0x82: {  	_ =	shalt  }
0x83: {  	_ =	shalt  }
0x84: {  	_ =	shalt  }
0x85: {  	_ =	shalt  }
0x86: {  	_ =	shalt  }
0x87: {  	_ =	shalt  }
.Lfunc_end0:
.L_simem_size_0:
called_computation_lowered:
.L_overlay_start_0:
0x88: {  	s2 =	sld [smem:$0x3FD9]  }
0x89: {  	s3 =	sld [smem:$0x3FFE];
	_ =	sdelay $0x1  }
0x8a: {  	s1 =	srdreg.scid  }
0x8b: {  	s0 =	sand.u32 $0x1, s1  }
0x8c: {  	s17 =	sshll.u32 s0, $0xA;
	s2 =	sadd.s32 s3, s2  }
0x8d: {  	s2 =	sadd.s32 s2, s17  }
0x8e: {  	[smem:$0x3FC6] =	sst s2  }
0x8f: {  	_ = 	snop  }
0x90: {  	s2 =	sld [smem:$0x3FC8]  }
0x91: {  	s18 =	sld [smem:$0x3FD0];
	(tm) =	ssettm $0x1  }
0x92: {  	s4 =	sld [smem:$0x3FFB];
	_ =	sdelay $0x3  }
0x93: {  	_ =	strace s4  }
0x94: {  	s4 =	sld [smem:$0x3FFC];
	_ =	sdelay $0x3  }
0x95: {  	_ =	strace s4  }
0x96: {  	s4 =	sld [smem:$0x3FFD];
	_ =	sdelay $0x3  }
0x97: {  	_ =	strace s4  }
0x98: {  	_ =	strace $0x8FFFFFFF  }
0x99: {  	s19 =	sld [smem:$0x3FDB];
	_ =	sdelay $0x1  }
0x9a: {  	s5 =	simm.s32 $_scs_section_size  }
0x9b: {  	s6 =	simm.s32 $_size__tile_overlayer_lowered;
	s7 =	simm.s32 $_tile_overlayer_lowered  }
0x9c: {  	s22 =	simm.s32 $0x1BFF;
	s21 =	sshll.u32 s7, $0x1;
	s4 =	sadd.s32 s5, s19  }
0x9d: {  	s8 =	simm.s32 $0x0;
	s20 =	sshll.u32 s6, $0x1;
	s6 =	sadd.s32 s21, s4  }
0x9e: {  	[timem:s8], [sflag:s22] =	dma.local [hbm:s6], s20  }
0x9f: {  	_ =	swait.ge [sflag:s22], s20  }
0xa0: {  	s5 =	ssub.s32 $0x0, s20;
	[sflag:s22] =	ssyncset.done $0x0  }
0xa1: {  	[sflag:s22] =	ssyncadd.s32 s5;
	_ =	sdelay $0x1  }
0xa2: {  	s23 =	simm.s32 $0x1B8B  }
0xa3: {  	_ =	swait.ge [sflag:s23], $0x1  }
0xa4: {  	[sflag:s23] =	ssyncset.done $0x0  }
0xa5: {  	s25 =	simm.s32 $0x1B8E;
	s24 =	sld [smem:$0x3FFE];
	[sflag:s23] =	ssyncadd.s32 $0xFFFFFFFF  }
0xa6: {  	s26 =	simm.s32 $execute0_lowered;
	[smem:$0x3FD2] =	sst s25  }
0xa7: {  	s6 =	sshll.u32 s26, $0x1;
	_ =	strace $0x80000046;
	[dreg:$0x1] =	wrdreg $0xFFFFFFFF  }
0xa8: {  	s28 =	simm.s32 $_size_execute0_lowered;
	s4 =	sadd.s32 s4, s6;
	[dreg:$0x0] =	wrdreg $0x0  }
0xa9: {  	s6 =	sshll.u32 s28, $0x1;
	[dreg:$0x2] =	wrdreg s4  }
0xaa: {  	[dreg:$0x3] =	wrdreg s6  }
0xab: {  	[dreg:$0x4] =	wrdreg $0xC0  }
0xac: {  	_ =	task [dreg:s8], $0x5FFFF  }
0xad: {  	[dreg:$0x1] =	wrdreg $0xFFFFFFFF  }
0xae: {  	[dreg:$0x0] =	wrdreg $0x60  }
0xaf: {  	[dreg:$0x2] =	wrdreg s24  }
0xb0: {  	[dreg:$0x3] =	wrdreg s2  }
0xb1: {  	[dreg:$0x4] =	wrdreg s18  }
0xb2: {  	[dreg:$0x5] =	wrdreg $0x9  }
0xb3: {  	_ =	task.clear_ibuf [dreg:s8], $0x6FFFF;
	_ =	strace $0x90000046  }
0xb4: {  	s29 =	simm.s32 $0x9;
	_ =	strace $0x80000048  }
0xb5: {  	_ =	swait.ge [sflag:s29], $0x1  }
0xb6: {  	[sflag:s29] =	ssyncadd.s32 $0xFFFFFFFF  }
0xb7: {  	_ =	strace $0x90000048  }
0xb8: {  	_ =	sfence  }
0xb9: {  	s30 =	sld [smem:$0x0];
	_ =	sdelay $0x2  }
0xba: {  	s31 =	sshll.u32 s1, $0xD;
	s1 =	sshrl.u32 s1, $0x2  }
0xbb: {  	s3 =	sand.u32 $0x4000, s31;
	s1 =	sadd.s32 s1, s30  }
0xbc: {  	s0 =	sor.u32 s3, s0;
	s1 =	sshll.u32 s1, $0x11  }
0xbd: {  	s0 =	sor.u32 s1, s0  }
0xbe: {  	s0 =	sadd.s32 $0x8F2B, s0  }
0xbf: {  	[sflag:s0] =	ssyncadd.remote.s32 $0x1  }
0xc0: {  	_ =	sfence.sel $0xFFFF  }
0xc1: {  	[dreg:$0x0] =	wrdreg $0xFFFFFFFF;
	(pc) =	sbr.abs _section_cstart, $3  }
0xc2: {  	[dreg:$0x1] =	wrdreg $0xFFFFFFFF  }
0xc3: {  	_ =	task.clear_ibuf [dreg:s8], $0x2FFFF;
	_ =	strace $0x9FFFFFFF  }
0xc4: {  	(tm) =	ssettm $0x7FFFFFFF  }
0xc5: {  	_ =	shalt  }
tec
execute0_lowered:
.L_overlay_start_1:
0x0: {  	(tag) =	ssettag $0x1  }
0x1: {  	s0 =	rddreg [dreg:$0x0]  }
0x2: {  	s2 =	rddreg [dreg:$0x1];
	s1 =	srdreg.scid  }
0x3: {  	s4 =	stileid.u32;
	s3 =	rddreg [dreg:$0x2]  }
0x4: {  	s11 =	simm.s32 $0x5;
	s12 =	simm.s32 $0x80;
	s13 =	simm.s32 $0x1C00  }
0x5: {  	s14 =	simm.s32 $0x5C00;
	s15 =	simm.s32 $0x1;
	s16 =	simm.s32 $0x9C00  }
0x6: {  	s17 =	simm.s32 $0x2;
	s1 =	sand.u32 $0x1, s1;
	s5 =	sshll.u32 s4, $0x1  }
0x7: {  	s18 =	simm.s32 $0x4;
	s19 =	simm.s32 $0xDC00;
	s7 =	sor.u32 s1, s5  }
0x8: {  	s20 =	simm.s32 $0x3;
	s4 =	simm.s32 $0x0;
	s5 =	smul.u32 $0x380, s7  }
.Ltmp0:
0x9: {  	s21 =	simm.s32 $0x0;
	[smem:$0x7FF] =	sst s4;
	(pc) =	sbr.rel .LBB2_1-.Ltmp0, $4  }
0xa: {  	s1 =	ssub.s32 $0x2, s1;
	_ =	strace $0x80000047;
	s8 =	smul.u32 $0x19000, s7  }
0xb: {  	s30 =	sshrl.u32 s1, $0x1;
	s7 =	smul.u32 $0xC8000, s7;
	s6 =	sadd.s32 s5, s0  }
0xc: {  	s5 =	sadd.s32 $0x7400, s0;
	s0 =	ssub.s32 s1, s30;
	s31 =	sadd.s32 s8, s3  }
0xd: {  	s6 =	sadd.s32 $0x400, s6;
	s8 =	smax.u32 s0, $0x1;
	s9 =	sadd.s32 $0x800, s31  }
.LBB2_12:
0xe: {  	s21 =	sadd.s32 $0x1, s21  }
0xf: {  	_ =	swait.ge [sflag:s20], $0x4000;
	p0 =	sne.s32 s21, s8  }
.Ltmp1:
0x10: {  	[sflag:s20] =	ssyncset.done $0x0;
	(pc) =	sbr.rel @!p0 .LBB2_13-.Ltmp1, $4  }
0x11: {  	[sflag:s20] =	ssyncadd.s32 $0xFFFFC000  }
0x12: {  	_ =	swait.ge [sflag:s18], $0x4000  }
0x13: {  	[sflag:s18] =	ssyncset.done $0x0  }
0x14: {  	[sflag:s18] =	ssyncadd.s32 $0xFFFFC000  }
.LBB2_1:
0x15: {  	s0 =	simm.s32 $0x11C00  }
0x16: {  	[tilespmem:s0], [sflag:$0x5] =	stream.linear.gather [hbm4b:s5+s4], $0x1, $0x38;
	[tilespmem:$0x11C80] =	vst v63  }
0x17: {  	_ =	swait.ge [sflag:s11], $0x1  }
0x18: {  	[sflag:s11] =	ssyncset.done $0x0  }
0x19: {  	[sflag:s11] =	ssyncadd.s32 $0xFFFFFFFF  }
0x1a: {  	v0 =	vld.msk [tilespmem:$0x11C00 ss:$0x0], $0xffff;
	[tilespmem:s4], [sflag:$0x5] =	stream.linear.gather [hbm4b:s6+s4], $0x1900, $0x38  }
0x1b: {  	_ =	swait.ge [sflag:s11], $0x1900  }
0x1c: {  	[sflag:s11] =	ssyncset.done $0x0  }
0x1d: {  	[sflag:s11] =	ssyncadd.s32 $0xFFFFE700  }
0x1e: {  	[tilespmem:s13], [sflag:$0x1] =	stream.indirect.gather [hbm4b:s2+s12], $0x80, s4, s12, $0xb8;
	[tilespmem:$0x11C80] =	vst v63  }
0x1f: {  	s22 =	simm.s32 $0x0  }
0x20: {  	[tilespmem:s14], [sflag:$0x2] =	stream.indirect.gather [hbm4b:s2+s12], $0x80, s12, s12, $0xb8;
	[tilespmem:$0x11C80] =	vst v63  }
.LBB2_2:
0x21: {  	_ =	swait.ge [sflag:s15], $0x4000  }
0x22: {  	p0 =	seq.s32 s22, $0x0;
	[sflag:s15] =	ssyncset.done $0x0  }
0x23: {  	s0 =	simm.s32 @!p0 $0x3;
	[sflag:s15] =	ssyncadd.s32 $0xFFFFC000  }
0x24: {  	_ =	swait.ge @!p0 [sflag:s0], $0x4000  }
0x25: {  	[sflag:s0] =	ssyncset.done @!p0 $0x0  }
0x26: {  	s30 =	simm.s32 $0x1C80;
	[sflag:s0] =	ssyncadd.s32 @!p0 $0xFFFFC000  }
0x27: {  	v1 =	vld [tilespmem:s30+$0x0];
	_ =	sdelay $0x3  }
0x28: {  	v2 =	vld [tilespmem:s30+$0xFFFFFF80]  }
0x29: {  	v1 =	vmul.f32 v1, v0  }
0x2a: {  	s23 =	simm.s32 $0x9C80  }
0x2b: {  	[tilespmem:s23+$0x0] =	vst v1  }
0x2c: {  	v1 =	vld [tilespmem:s30+$0x10]  }
0x2d: {  	v2 =	vmul.f32 v2, v0;
	_ =	sdelay $0x1  }
0x2e: {  	[tilespmem:s23+$0xFFFFFF80] =	vst v2  }
0x2f: {  	v2 =	vld [tilespmem:s30+$0xFFFFFF90]  }
0x30: {  	v1 =	vmul.f32 v1, v0  }
0x31: {  	s25 =	simm.s32 $0x1D80  }
0x32: {  	[tilespmem:s23+$0x10] =	vst v1;
	v1 =	vld [tilespmem:s25+$0x0]  }
0x33: {  	v3 =	vld [tilespmem:s30+$0x20]  }
0x34: {  	v2 =	vmul.f32 v2, v0;
	_ =	sdelay $0x1  }
0x35: {  	[tilespmem:s23+$0xFFFFFF90] =	vst v2;
	v2 =	vld [tilespmem:s25+$0xFFFFFF80]  }
0x36: {  	v4 =	vld [tilespmem:s30+$0xFFFFFFA0];
	v1 =	vmul.f32 v1, v0  }
0x37: {  	s24 =	simm.s32 $0x9D80;
	v3 =	vmul.f32 v3, v0  }
0x38: {  	[tilespmem:s24+$0x0] =	vst v1  }
0x39: {  	v1 =	vld [tilespmem:s25+$0x10];
	[tilespmem:s23+$0x20] =	vst v3  }
0x3a: {  	v2 =	vmul.f32 v2, v0;
	v3 =	vld [tilespmem:s30+$0x30]  }
0x3b: {  	v4 =	vmul.f32 v4, v0  }
0x3c: {  	[tilespmem:s24+$0xFFFFFF80] =	vst v2  }
0x3d: {  	v2 =	vld [tilespmem:s25+$0xFFFFFF90];
	[tilespmem:s23+$0xFFFFFFA0] =	vst v4  }
0x3e: {  	v4 =	vld [tilespmem:s30+$0xFFFFFFB0];
	v1 =	vmul.f32 v1, v0  }
0x3f: {  	s26 =	simm.s32 $0x1E80;
	v3 =	vmul.f32 v3, v0  }
0x40: {  	[tilespmem:s24+$0x10] =	vst v1;
	v1 =	vld [tilespmem:s26+$0x0]  }
0x41: {  	[tilespmem:s23+$0x30] =	vst v3;
	v3 =	vld [tilespmem:s25+$0x20]  }
0x42: {  	v2 =	vmul.f32 v2, v0;
	v5 =	vld [tilespmem:s30+$0x40]  }
0x43: {  	v4 =	vmul.f32 v4, v0  }
0x44: {  	[tilespmem:s24+$0xFFFFFF90] =	vst v2;
	v2 =	vld [tilespmem:s26+$0xFFFFFF80]  }
0x45: {  	[tilespmem:s23+$0xFFFFFFB0] =	vst v4;
	v4 =	vld [tilespmem:s25+$0xFFFFFFA0];
	v1 =	vmul.f32 v1, v0  }
0x46: {  	s28 =	simm.s32 $0x9E80;
	v6 =	vld [tilespmem:s30+$0xFFFFFFC0];
	v3 =	vmul.f32 v3, v0  }
0x47: {  	[tilespmem:s28+$0x0] =	vst v1;
	v1 =	vmul.f32 v5, v0  }
0x48: {  	v5 =	vld [tilespmem:s26+$0x10];
	[tilespmem:s24+$0x20] =	vst v3  }
0x49: {  	v2 =	vmul.f32 v2, v0;
	v3 =	vld [tilespmem:s25+$0x30];
	[tilespmem:s23+$0x40] =	vst v1  }
0x4a: {  	v1 =	vmul.f32 v4, v0;
	v4 =	vld [tilespmem:s30+$0x50]  }
0x4b: {  	[tilespmem:s28+$0xFFFFFF80] =	vst v2;
	v2 =	vmul.f32 v6, v0  }
0x4c: {  	v6 =	vld [tilespmem:s26+$0xFFFFFF90];
	[tilespmem:s24+$0xFFFFFFA0] =	vst v1  }
0x4d: {  	[tilespmem:s23+$0xFFFFFFC0] =	vst v2;
	v1 =	vmul.f32 v5, v0;
	v5 =	vld [tilespmem:s25+$0xFFFFFFB0]  }
0x4e: {  	s29 =	simm.s32 $0x1F80;
	v2 =	vmul.f32 v3, v0;
	v3 =	vld [tilespmem:s30+$0xFFFFFFD0]  }
0x4f: {  	[tilespmem:s28+$0x10] =	vst v1;
	v1 =	vmul.f32 v4, v0;
	v4 =	vld [tilespmem:s29+$0x0]  }
0x50: {  	[tilespmem:s24+$0x30] =	vst v2;
	v2 =	vld [tilespmem:s26+$0x20]  }
0x51: {  	v6 =	vmul.f32 v6, v0;
	[tilespmem:s23+$0x50] =	vst v1;
	v1 =	vld [tilespmem:s25+$0x40]  }
0x52: {  	v5 =	vmul.f32 v5, v0;
	v7 =	vld [tilespmem:s30+$0x60]  }
0x53: {  	[tilespmem:s28+$0xFFFFFF90] =	vst v6;
	v6 =	vld [tilespmem:s29+$0xFFFFFF80];
	v3 =	vmul.f32 v3, v0  }
0x54: {  	[tilespmem:s24+$0xFFFFFFB0] =	vst v5;
	v4 =	vmul.f32 v4, v0;
	v5 =	vld [tilespmem:s26+$0xFFFFFFA0]  }
0x55: {  	s31 =	simm.s32 $0x9F80;
	[tilespmem:s23+$0xFFFFFFD0] =	vst v3;
	v2 =	vmul.f32 v2, v0;
	v3 =	vld [tilespmem:s25+$0xFFFFFFC0]  }
0x56: {  	[tilespmem:s31+$0x0] =	vst v4;
	v1 =	vmul.f32 v1, v0;
	v4 =	vld [tilespmem:s30+$0xFFFFFFE0]  }
0x57: {  	v8 =	vld [tilespmem:s29+$0x10];
	[tilespmem:s28+$0x20] =	vst v2;
	v2 =	vmul.f32 v7, v0  }
0x58: {  	v6 =	vmul.f32 v6, v0;
	v7 =	vld [tilespmem:s26+$0x30];
	[tilespmem:s24+$0x40] =	vst v1  }
0x59: {  	v5 =	vmul.f32 v5, v0;
	v9 =	vld [tilespmem:s25+$0x50];
	[tilespmem:s23+$0x60] =	vst v2  }
0x5a: {  	[tilespmem:s31+$0xFFFFFF80] =	vst v6;
	v2 =	vmul.f32 v3, v0;
	v1 =	vld [tilespmem:s30+$0x70]  }
0x5b: {  	v6 =	vld [tilespmem:s29+$0xFFFFFF90];
	[tilespmem:s28+$0xFFFFFFA0] =	vst v5;
	v4 =	vmul.f32 v4, v0  }
0x5c: {  	v8 =	vmul.f32 v8, v0;
	v5 =	vld [tilespmem:s26+$0xFFFFFFB0];
	[tilespmem:s24+$0xFFFFFFC0] =	vst v2  }
0x5d: {  	v3 =	vld [tilespmem:s25+$0xFFFFFFD0];
	[tilespmem:s23+$0xFFFFFFE0] =	vst v4;
	v7 =	vmul.f32 v7, v0  }
0x5e: {  	s1 =	simm.s32 $0x6;
	s0 =	simm.s32 $0x2080;
	[tilespmem:s31+$0x10] =	vst v8;
	v4 =	vmul.f32 v9, v0;
	v2 =	vld [tilespmem:s30+$0xFFFFFFF0];
	s30 =	simm.s32 $0x9F80  }
.LBB2_3:
0x5f: {  	v8 =	vld [tilespmem:s0+$0x0];
	[tilespmem:s28+$0x30] =	vst v7;
	v1 =	vmul.f32 v1, v0;
	s10 =	smov.u32 s29;
	s29 =	smov.u32 s0  }
0x60: {  	v6 =	vmul.f32 v6, v0;
	v7 =	vld [tilespmem:s10+$0x20];
	[tilespmem:s24+$0x50] =	vst v4  }
0x61: {  	v4 =	vmul.f32 v5, v0;
	v5 =	vld [tilespmem:s26+$0x40];
	[tilespmem:s23+$0x70] =	vst v1  }
0x62: {  	s1 =	sadd.s32 $0x2, s1;
	[tilespmem:s31+$0xFFFFFF90] =	vst v6;
	v1 =	vmul.f32 v3, v0;
	v3 =	vld [tilespmem:s25+$0x60]  }
0x63: {  	p1 =	slt.u32 s1, $0x7E;
	v6 =	vld [tilespmem:s0+$0xFFFFFF80];
	[tilespmem:s28+$0xFFFFFFB0] =	vst v4;
	v2 =	vmul.f32 v2, v0  }
0x64: {  	v4 =	vmul.f32 v8, v0;
	v8 =	vld [tilespmem:s10+$0xFFFFFFA0];
	[tilespmem:s24+$0xFFFFFFD0] =	vst v1  }
0x65: {  	s31 =	sadd.s32 $0x100, s31;
	v1 =	vmul.f32 v7, v0;
	v7 =	vld [tilespmem:s26+$0xFFFFFFC0];
	[tilespmem:s23+$0xFFFFFFF0] =	vst v2;
	s23 =	smov.u32 s24;
	s24 =	smov.u32 s28  }
0x66: {  	s28 =	smov.u32 s30;
	s30 =	smov.u32 s31;
	[tilespmem:s31+$0x0] =	vst v4;
	v2 =	vmul.f32 v5, v0;
	v4 =	vld [tilespmem:s25+$0xFFFFFFE0]  }
0x67: {  	v5 =	vld [tilespmem:s0+$0x10];
	[tilespmem:s28+$0x20] =	vst v1;
	v1 =	vmul.f32 v3, v0  }
0x68: {  	v3 =	vmul.f32 v6, v0;
	v9 =	vld [tilespmem:s10+$0x30];
	[tilespmem:s24+$0x40] =	vst v2  }
0x69: {  	v2 =	vmul.f32 v8, v0;
	v8 =	vld [tilespmem:s26+$0x50];
	[tilespmem:s23+$0x60] =	vst v1  }
.Ltmp2:
0x6a: {  	[tilespmem:s31+$0xFFFFFF80] =	vst v3;
	v3 =	vmul.f32 v7, v0;
	v1 =	vld [tilespmem:s25+$0x70];
	(pc) =	sbr.rel @p1 .LBB2_3-.Ltmp2, $4  }
0x6b: {  	v6 =	vld [tilespmem:s0+$0xFFFFFF90];
	[tilespmem:s28+$0xFFFFFFA0] =	vst v2;
	v2 =	vmul.f32 v4, v0  }
0x6c: {  	v4 =	vmul.f32 v5, v0;
	v5 =	vld [tilespmem:s10+$0xFFFFFFB0];
	[tilespmem:s24+$0xFFFFFFC0] =	vst v3  }
0x6d: {  	v7 =	vmul.f32 v9, v0;
	v3 =	vld [tilespmem:s26+$0xFFFFFFD0];
	[tilespmem:s23+$0xFFFFFFE0] =	vst v2  }
0x6e: {  	s0 =	sadd.s32 $0x100, s0;
	[tilespmem:s31+$0x10] =	vst v4;
	v4 =	vmul.f32 v8, v0;
	v2 =	vld [tilespmem:s25+$0xFFFFFFF0];
	s25 =	smov.u32 s26;
	s26 =	smov.u32 s10  }
0x6f: {  	_ = 	snop  }
0x70: {  	v6 =	vmul.f32 v6, v0;
	_ =	sdelay $0x1  }
0x71: {  	v8 =	vld [tilespmem:s29+$0x20];
	[tilespmem:s31+$0xFFFFFF90] =	vst v6  }
0x72: {  	v6 =	vld [tilespmem:s29+$0xFFFFFFA0];
	_ =	sdelay $0x3  }
0x73: {  	v8 =	vmul.f32 v8, v0  }
0x74: {  	v6 =	vmul.f32 v6, v0  }
0x75: {  	[tilespmem:s30+$0x20] =	vst v8  }
0x76: {  	v8 =	vld [tilespmem:s29+$0x30];
	[tilespmem:s30+$0xFFFFFFA0] =	vst v6  }
0x77: {  	v6 =	vld [tilespmem:s29+$0xFFFFFFB0];
	_ =	sdelay $0x2  }
0x78: {  	v5 =	vmul.f32 v5, v0  }
0x79: {  	[tilespmem:s28+$0x30] =	vst v7;
	v47 =	vmul.f32 v8, v0  }
0x7a: {  	v48 =	vld [tilespmem:s26+$0x40];
	[tilespmem:s28+$0xFFFFFFB0] =	vst v5;
	v49 =	vmul.f32 v6, v0  }
0x7b: {  	v50 =	vld [tilespmem:s26+$0xFFFFFFC0];
	[tilespmem:s30+$0x30] =	vst v47  }
0x7c: {  	v7 =	vld [tilespmem:s29+$0x40];
	[tilespmem:s30+$0xFFFFFFB0] =	vst v49  }
0x7d: {  	v5 =	vld [tilespmem:s29+$0xFFFFFFC0];
	_ =	sdelay $0x1  }
0x7e: {  	v8 =	vmul.f32 v48, v0  }
0x7f: {  	v6 =	vmul.f32 v50, v0  }
0x80: {  	[tilespmem:s28+$0x40] =	vst v8;
	v7 =	vmul.f32 v7, v0  }
0x81: {  	v8 =	vld [tilespmem:s26+$0x50];
	[tilespmem:s28+$0xFFFFFFC0] =	vst v6;
	v5 =	vmul.f32 v5, v0  }
0x82: {  	v6 =	vld [tilespmem:s26+$0xFFFFFFD0];
	[tilespmem:s30+$0x40] =	vst v7  }
0x83: {  	v7 =	vld [tilespmem:s29+$0x50];
	[tilespmem:s30+$0xFFFFFFC0] =	vst v5  }
0x84: {  	v5 =	vld [tilespmem:s29+$0xFFFFFFD0]  }
0x85: {  	v3 =	vmul.f32 v3, v0  }
0x86: {  	[tilespmem:s24+$0x50] =	vst v4;
	v51 =	vmul.f32 v8, v0  }
0x87: {  	v52 =	vld [tilespmem:s25+$0x60];
	[tilespmem:s24+$0xFFFFFFD0] =	vst v3;
	v3 =	vmul.f32 v6, v0  }
0x88: {  	v53 =	vld [tilespmem:s25+$0xFFFFFFE0];
	[tilespmem:s28+$0x50] =	vst v51;
	v54 =	vmul.f32 v7, v0  }
0x89: {  	v55 =	vld [tilespmem:s26+$0x60];
	[tilespmem:s28+$0xFFFFFFD0] =	vst v3;
	v3 =	vmul.f32 v5, v0  }
0x8a: {  	v56 =	vld [tilespmem:s26+$0xFFFFFFE0];
	[tilespmem:s30+$0x50] =	vst v54  }
0x8b: {  	v4 =	vld [tilespmem:s29+$0x60];
	[tilespmem:s30+$0xFFFFFFD0] =	vst v3  }
0x8c: {  	v3 =	vmul.f32 v52, v0;
	v57 =	vld [tilespmem:s29+$0xFFFFFFE0]  }
0x8d: {  	v6 =	vmul.f32 v53, v0  }
0x8e: {  	[tilespmem:s24+$0x60] =	vst v3;
	v3 =	vmul.f32 v55, v0  }
0x8f: {  	[tilespmem:s24+$0xFFFFFFE0] =	vst v6;
	v5 =	vmul.f32 v56, v0;
	v58 =	vld [tilespmem:s25+$0x70]  }
0x90: {  	v4 =	vmul.f32 v4, v0;
	[tilespmem:s28+$0x60] =	vst v3;
	v3 =	vld [tilespmem:s25+$0xFFFFFFF0]  }
0x91: {  	[tilespmem:s28+$0xFFFFFFE0] =	vst v5;
	v59 =	vld [tilespmem:s26+$0x70];
	v60 =	vmul.f32 v57, v0  }
0x92: {  	v1 =	vmul.f32 v1, v0;
	v61 =	vld [tilespmem:s26+$0xFFFFFFF0];
	[tilespmem:s30+$0x60] =	vst v4  }
0x93: {  	v2 =	vmul.f32 v2, v0;
	v62 =	vld [tilespmem:s29+$0x70];
	[tilespmem:s30+$0xFFFFFFE0] =	vst v60  }
0x94: {  	[tilespmem:s23+$0x70] =	vst v1;
	v1 =	vmul.f32 v58, v0;
	v63 =	vld [tilespmem:s29+$0xFFFFFFF0]  }
0x95: {  	[tilespmem:s23+$0xFFFFFFF0] =	vst v2;
	v2 =	vmul.f32 v3, v0  }
0x96: {  	[tilespmem:s24+$0x70] =	vst v1;
	v1 =	vmul.f32 v59, v0  }
0x97: {  	p1 =	sne.s32 s22, $0x18;
	[tilespmem:s24+$0xFFFFFFF0] =	vst v2;
	v2 =	vmul.f32 v61, v0  }
.Ltmp3:
0x98: {  	s0 =	sshll.u32 s22, $0xF;
	[tilespmem:s28+$0x70] =	vst v1;
	v1 =	vmul.f32 v62, v0;
	(pc) =	sbr.rel @p1 .LBB2_6-.Ltmp3, $4  }
0x99: {  	s0 =	sadd.s32 s7, s0;
	[tilespmem:s28+$0xFFFFFFF0] =	vst v2;
	v2 =	vmul.f32 v63, v0  }
0x9a: {  	s0 =	sshrl.u32 s0, $0x3;
	[tilespmem:s30+$0x70] =	vst v1  }
0x9b: {  	s0 =	sadd.s32 s3, s0;
	[tilespmem:s30+$0xFFFFFFF0] =	vst v2  }
0x9c: {  	[hbm4b:s0+s4] =	stream.linear.scatter [tilespmem:s16], [sflag:$0x3], $0x4000, $0x38;
	[tilespmem:$0x11C80] =	vst v63  }
.Ltmp4:
0x9d: {  	(pc) =	sbr.rel .LBB2_7-.Ltmp4, $4  }
0x9e: {  	_ = 	snop  }
0x9f: {  	_ =	swait.ge [sflag:s17], $0x4000  }
0xa0: {  	[sflag:s17] =	ssyncset.done $0x0  }
0xa1: {  	[sflag:s17] =	ssyncadd.s32 $0xFFFFC000  }
.LBB2_6:
0xa2: {  	s0 =	sshll.u32 s22, $0x8  }
0xa3: {  	s0 =	sand.u32 $0x3FFFFF00, s0  }
.Ltmp5:
0xa4: {  	s0 =	sadd.s32 $0x100, s0;
	(pc) =	sbr.rel @p0 .LBB2_8-.Ltmp5, $4  }
0xa5: {  	[tilespmem:s13], [sflag:$0x1] =	stream.indirect.gather [hbm4b:s2+s12], $0x80, s0, s12, $0xb8;
	[tilespmem:$0x11C80] =	vst v63  }
0xa6: {  	_ =	swait.ge [sflag:s17], $0x4000  }
0xa7: {  	[sflag:s17] =	ssyncset.done $0x0  }
0xa8: {  	[sflag:s17] =	ssyncadd.s32 $0xFFFFC000  }
.LBB2_7:
0xa9: {  	_ =	swait.ge [sflag:s18], $0x4000  }
0xaa: {  	[sflag:s18] =	ssyncset.done $0x0  }
0xab: {  	[sflag:s18] =	ssyncadd.s32 $0xFFFFC000  }
.LBB2_8:
0xac: {  	s23 =	simm.s32 $0x0  }
0xad: {  	v1 =	vld [tilespmem:s23+$0x5CF0]  }
0xae: {  	v2 =	vld [tilespmem:s23+$0x5C00]  }
0xaf: {  	v3 =	vld [tilespmem:s23+$0x5C10]  }
0xb0: {  	v4 =	vld [tilespmem:s23+$0x5C20]  }
0xb1: {  	v8 =	vld [tilespmem:s23+$0x5C60]  }
0xb2: {  	v5 =	vld [tilespmem:s23+$0x5C30]  }
0xb3: {  	v2 =	vmul.f32 v2, v0  }
0xb4: {  	v6 =	vld [tilespmem:s23+$0x5C40];
	v1 =	vmul.f32 v1, v0  }
0xb5: {  	v7 =	vld [tilespmem:s23+$0x5C50];
	v3 =	vmul.f32 v3, v0;
	[tilespmem:s23+$0xDC00] =	vst v2  }
0xb6: {  	v9 =	vld [tilespmem:s23+$0x5C70];
	v8 =	vmul.f32 v8, v0;
	[tilespmem:s23+$0xDCF0] =	vst v1  }
0xb7: {  	v1 =	vmul.f32 v4, v0;
	[tilespmem:s23+$0xDC10] =	vst v3;
	v2 =	vmul.f32 v5, v0;
	v5 =	vld [tilespmem:s23+$0x5C80]  }
0xb8: {  	v4 =	vld [tilespmem:s23+$0x5C90];
	[tilespmem:s23+$0xDC60] =	vst v8  }
0xb9: {  	v3 =	vmul.f32 v6, v0;
	[tilespmem:s23+$0xDC20] =	vst v1;
	v1 =	vld [tilespmem:s23+$0x5CA0]  }
0xba: {  	v6 =	vmul.f32 v7, v0;
	[tilespmem:s23+$0xDC30] =	vst v2;
	v2 =	vld [tilespmem:s23+$0x5CB0]  }
0xbb: {  	v7 =	vmul.f32 v9, v0;
	[tilespmem:s23+$0xDC40] =	vst v3;
	v3 =	vld [tilespmem:s23+$0x5CC0]  }
0xbc: {  	s0 =	simm.s32 $0x0;
	s1 =	simm.s32 $0x400;
	[tilespmem:s23+$0xDC50] =	vst v6;
	v6 =	vmul.f32 v5, v0;
	v5 =	vld [tilespmem:s23+$0x5CD0]  }
.LBB2_9:
0xbd: {  	s10 =	sshra.s32 s1, $0x2;
	s0 =	sadd.s32 $0x2, s0;
	[tilespmem:s23+$0xDC70] =	vst v7;
	v4 =	vmul.f32 v4, v0;
	v7 =	vld [tilespmem:s23+$0x5CE0]  }
0xbe: {  	v8 =	vld [tilespmem:s10+$0x5CF0];
	p0 =	slt.u32 s0, $0x7E;
	[tilespmem:s23+$0xDC80] =	vst v6;
	v1 =	vmul.f32 v1, v0  }
0xbf: {  	v6 =	vld [tilespmem:s10+$0x5C00];
	[tilespmem:s23+$0xDC90] =	vst v4;
	v2 =	vmul.f32 v2, v0  }
0xc0: {  	v4 =	vld [tilespmem:s10+$0x5C10];
	[tilespmem:s23+$0xDCA0] =	vst v1;
	v1 =	vmul.f32 v3, v0  }
0xc1: {  	v3 =	vld [tilespmem:s10+$0x5C20];
	[tilespmem:s23+$0xDCB0] =	vst v2;
	v2 =	vmul.f32 v5, v0  }
0xc2: {  	v5 =	vld [tilespmem:s10+$0x5C30];
	[tilespmem:s23+$0xDCC0] =	vst v1;
	v1 =	vmul.f32 v7, v0  }
0xc3: {  	v7 =	vld [tilespmem:s10+$0x5C40];
	v8 =	vmul.f32 v8, v0;
	[tilespmem:s23+$0xDCD0] =	vst v2  }
0xc4: {  	v2 =	vmul.f32 v6, v0;
	v6 =	vld [tilespmem:s10+$0x5C50];
	[tilespmem:s23+$0xDCE0] =	vst v1;
	s23 =	smov.u32 s10  }
0xc5: {  	v1 =	vmul.f32 v4, v0;
	v9 =	vld [tilespmem:s23+$0x5C60];
	[tilespmem:s23+$0xDCF0] =	vst v8  }
0xc6: {  	[tilespmem:s23+$0xDC00] =	vst v2;
	v2 =	vmul.f32 v3, v0;
	v3 =	vld [tilespmem:s23+$0x5C70]  }
0xc7: {  	[tilespmem:s23+$0xDC10] =	vst v1;
	v1 =	vmul.f32 v5, v0;
	v5 =	vld [tilespmem:s23+$0x5C80]  }
.Ltmp6:
0xc8: {  	[tilespmem:s23+$0xDC20] =	vst v2;
	v2 =	vmul.f32 v7, v0;
	v4 =	vld [tilespmem:s23+$0x5C90];
	(pc) =	sbr.rel @p0 .LBB2_9-.Ltmp6, $4  }
0xc9: {  	[tilespmem:s23+$0xDC30] =	vst v1;
	v6 =	vmul.f32 v6, v0;
	v1 =	vld [tilespmem:s23+$0x5CA0]  }
0xca: {  	[tilespmem:s23+$0xDC40] =	vst v2;
	v8 =	vmul.f32 v9, v0;
	v2 =	vld [tilespmem:s23+$0x5CB0]  }
0xcb: {  	[tilespmem:s23+$0xDC50] =	vst v6;
	v7 =	vmul.f32 v3, v0;
	v3 =	vld [tilespmem:s23+$0x5CC0]  }
0xcc: {  	s1 =	sadd.s32 $0x400, s1;
	[tilespmem:s23+$0xDC60] =	vst v8;
	v6 =	vmul.f32 v5, v0;
	v5 =	vld [tilespmem:s23+$0x5CD0]  }
0xcd: {  	[tilespmem:s23+$0xDC70] =	vst v7;
	v4 =	vmul.f32 v4, v0;
	v63 =	vld [tilespmem:s23+$0x5CE0]  }
0xce: {  	[tilespmem:s23+$0xDC80] =	vst v6;
	v1 =	vmul.f32 v1, v0  }
0xcf: {  	[tilespmem:s23+$0xDC90] =	vst v4;
	v2 =	vmul.f32 v2, v0  }
0xd0: {  	p0 =	seq.s32 s22, $0x18;
	[tilespmem:s23+$0xDCA0] =	vst v1;
	v1 =	vmul.f32 v3, v0  }
.Ltmp7:
0xd1: {  	[tilespmem:s23+$0xDCB0] =	vst v2;
	v2 =	vmul.f32 v5, v0;
	(pc) =	sbr.rel @p0 .LBB2_12-.Ltmp7, $4  }
0xd2: {  	[tilespmem:s23+$0xDCC0] =	vst v1;
	v1 =	vmul.f32 v63, v0  }
0xd3: {  	s0 =	sshll.u32 s22, $0xC;
	[tilespmem:s23+$0xDCD0] =	vst v2  }
0xd4: {  	s0 =	sadd.s32 s9, s0;
	[tilespmem:s23+$0xDCE0] =	vst v1  }
0xd5: {  	[hbm4b:s0+s4] =	stream.linear.scatter [tilespmem:s19], [sflag:$0x4], $0x4000, $0x38;
	[tilespmem:$0x11C80] =	vst v63  }
.Ltmp8:
0xd6: {  	(pc) =	sbr.rel .LBB2_2-.Ltmp8, $4  }
0xd7: {  	s0 =	sshll.u32 s22, $0x8  }
0xd8: {  	s0 =	sand.u32 $0x3FFFFF00, s0  }
0xd9: {  	s22 =	sadd.s32 $0x1, s22;
	s0 =	sadd.s32 $0x180, s0  }
0xda: {  	[tilespmem:s14], [sflag:$0x2] =	stream.indirect.gather [hbm4b:s2+s12], $0x80, s0, s12, $0xb8;
	[tilespmem:$0x11C80] =	vst v63  }
.LBB2_13:
0xdb: {  	_ =	sfence.sel $0x180000  }
0xdc: {  	[bflag:$0x0] =	sbarrier.arrive $0xFFFF  }
0xdd: {  	_ =	strace $0x90000047  }
0xde: {  	s0 =	stileid.u32;
	[bflag:$0x2] =	sbarrier.arrive $0xFFFF  }
0xdf: {  	p0 =	sne.s32 s0, $0x0;
	s0 =	rddreg [dreg:$0x3]  }
0xe0: {  	s0 =	sadd.s32 @!p0 $0x100000, s0  }
0xe1: {  	[sflag:s0] =	ssyncadd.tile.s32 @!p0 $0x1;
	_ =	shalt  }
.Lfunc_end2:
_tile_overlayer_lowered:
.L_overlay_start_2:
0xe2: {  	(tag) =	ssettag $0x2  }
0xe3: {  	s0 =	rddreg [dreg:$0x0];
	s2 =	stileid.u32  }
0xe4: {  	s1 =	rddreg [dreg:$0x1];
	p0 =	sne.s32 s2, $0x0  }
0xe5: {  	s3 =	rddreg [dreg:$0x2];
	[bflag:$0x3] =	sbarrier.arrive $0xFFFF;
	s2 =	simm.s32 @!p0 $0x1C05  }
0xe6: {  	[timem:s3], [sflag:s2] =	dma.local @!p0 [hbm:s0], s1  }
0xe7: {  	s0 =	simm.s32 @!p0 $0x5  }
0xe8: {  	_ =	swait.ge @!p0 [sflag:s0], s1  }
0xe9: {  	s1 =	ssub.s32 @!p0 $0x0, s1;
	[sflag:s0] =	ssyncset.done @!p0 $0x0  }
0xea: {  	[sflag:s0] =	ssyncadd.s32 @!p0 s1  }
0xeb: {  	[bflag:$0x3] =	sbarrier.arrive $0xFFFF  }
0xec: {  	_ =	shalt  }

</sc_bundles>
